<compile_context>
chip_gen: v7x
topology: tpu7x:2x2x1
jax: 0.10.2.dev20260603
libtpu: 0.0.44.dev20260713+nightly
codegen_flags: <defaults>
</compile_context>

<pallas_src>
import functools

import jax
import jax.numpy as jnp
import numpy as np
from jax import lax
from jax.experimental import pallas as pl
from jax.experimental.pallas import tpu as pltpu
from jax.experimental.pallas import tpu_sc as plsc

N = 10000
E = 320000
D = 128
NC = 2
NS = 16
NW = NC * NS
EPT = E // NW
CH = 80
NCH = EPT // CH
NBUF = 5
NG = NCH // NBUF
RPT = N // NS
DGB = 1000


def _sc_aggregate(x, row_idx, col_idx):
    mesh = plsc.VectorSubcoreMesh(
        core_axis_name="c", subcore_axis_name="s", num_cores=NC,
        num_subcores=NS)

    @functools.partial(
        pl.kernel,
        out_type=(
            jax.ShapeDtypeStruct((NC, N, D), jnp.bfloat16),
            jax.ShapeDtypeStruct((NC, N), jnp.float32),
        ),
        mesh=mesh,
        compiler_params=pltpu.CompilerParams(use_tc_tiling_on_sc=False),
        scratch_types=[
            pltpu.VMEM((NCH, CH), jnp.int32),
            pltpu.VMEM((NCH, CH), jnp.int32),
            [pltpu.VMEM((CH, D), jnp.bfloat16)] * NBUF,
            pltpu.VMEM((DGB,), jnp.float32),
            pltpu.VMEM((CH,), jnp.float32),
            pltpu.VMEM_SHARED((N, D), jnp.bfloat16),
            pltpu.VMEM_SHARED((N,), jnp.float32),
            [pltpu.SemaphoreType.DMA] * NBUF,
        ],
    )
    def k(x_hbm, row_hbm, col_hbm, agg_hbm, deg_hbm, rowi_v, coli_v,
          bufs, zd_v, ones_v, acc_sp, deg_sp, gsem):
        c = lax.axis_index("c")
        s = lax.axis_index("s")
        wid = s * NC + c

        zero16 = jnp.zeros((16,), jnp.float32)
        zero32 = jnp.zeros((32,), jnp.bfloat16)

        def zrow(r, _):
            def zcol(q, _):
                bufs[0][r, pl.ds(q * 32, 32)] = zero32
                return _
            return lax.fori_loop(0, D // 32, zcol, _)
        lax.fori_loop(0, CH, zrow, None)

        def zdeg(r, _):
            zd_v[pl.ds(r * 16, 16)] = zero16
            return _
        lax.fori_loop(0, DGB // 16, zdeg, None)

        def fones(r, _):
            ones_v[pl.ds(r * 16, 16)] = jnp.ones((16,), jnp.float32)
            return _
        lax.fori_loop(0, CH // 16, fones, None)

        def zacc(b, _):
            pltpu.sync_copy(bufs[0],
                            acc_sp.at[pl.ds(s * RPT + b * CH, CH)])
            return _
        lax.fori_loop(0, RPT // CH, zacc, None)
        pltpu.sync_copy(bufs[0].at[pl.ds(0, RPT % CH)],
                        acc_sp.at[pl.ds(s * RPT + RPT - RPT % CH,
                                        RPT % CH)])

        @pl.when(s < N // DGB)
        def _():
            pltpu.sync_copy(zd_v, deg_sp.at[pl.ds(s * DGB, DGB)])

        pltpu.sync_copy(row_hbm.at[wid], rowi_v)
        pltpu.sync_copy(col_hbm.at[wid], coli_v)

        plsc.subcore_barrier()

        def gather(i, j):
            pltpu.async_copy(x_hbm.at[rowi_v.at[i]], bufs[j], gsem[j])

        def wait_gather(i, j):
            pltpu.make_async_copy(x_hbm.at[rowi_v.at[i]], bufs[j],
                                  gsem[j]).wait()

        def scat(i, j):
            pltpu.sync_copy(bufs[j], acc_sp.at[coli_v.at[i]], add=True)
            pltpu.sync_copy(ones_v, deg_sp.at[coli_v.at[i]], add=True)

        for j in range(NBUF):
            gather(j, j)

        def group(gi, _):
            base = gi * NBUF
            for j in range(NBUF):
                wait_gather(base + j, j)
                scat(base + j, j)
                nxt = base + NBUF + j

                @pl.when(nxt < NCH)
                def _(j=j, nxt=nxt):
                    gather(nxt, j)
            return _
        lax.fori_loop(0, NG, group, None)

        plsc.subcore_barrier()

        pltpu.sync_copy(acc_sp.at[pl.ds(s * RPT, RPT)],
                        agg_hbm.at[c, pl.ds(s * RPT, RPT)])

        @pl.when(s < N // DGB)
        def _():
            pltpu.sync_copy(deg_sp.at[pl.ds(s * DGB, DGB)],
                            deg_hbm.at[c, pl.ds(s * DGB, DGB)])

    return k(x, row_idx, col_idx)


def _tc_combine_kernel(aggp_ref, degp_ref, x_ref, wn_ref, wr_ref, o_ref):
    inv_sqrt_d = np.float32(1.0 / np.sqrt(D))
    join_scale = np.float32(0.5 / np.sqrt(0.5))

    def norm_w(w):
        nrm = jnp.sqrt(jnp.sum(w * w, axis=1, keepdims=True))
        sc = np.float32(1e-4) + nrm * inv_sqrt_d
        return (w / sc) * inv_sqrt_d

    feat = (aggp_ref[0].astype(jnp.float32)
            + aggp_ref[1].astype(jnp.float32))
    deg = degp_ref[0] + degp_ref[1]
    dinv = jnp.where(deg > 0, lax.rsqrt(jnp.maximum(deg, 1.0)), 0.0)
    agg = feat * dinv

    wn = norm_w(wn_ref[...])
    wr = norm_w(wr_ref[...])
    dn = (((1,), (1,)), ((), ()))
    neigh = lax.dot_general(agg, wn, dn, preferred_element_type=jnp.float32)
    res = lax.dot_general(x_ref[...], wr, dn,
                          preferred_element_type=jnp.float32)
    o_ref[...] = jnp.where(deg > 0, (res + neigh) * join_scale, res)


def _tc_combine(aggp, degp, x, w_neigh, w_res):
    blk = 1000
    grid = N // blk
    return pl.pallas_call(
        _tc_combine_kernel,
        grid=(grid,),
        in_specs=[
            pl.BlockSpec((NC, blk, D), lambda i: (0, i, 0)),
            pl.BlockSpec((NC, blk, 1), lambda i: (0, i, 0)),
            pl.BlockSpec((blk, D), lambda i: (i, 0)),
            pl.BlockSpec((D, D), lambda i: (0, 0)),
            pl.BlockSpec((D, D), lambda i: (0, 0)),
        ],
        out_specs=pl.BlockSpec((blk, D), lambda i: (i, 0)),
        out_shape=jax.ShapeDtypeStruct((N, D), jnp.float32),
    )(aggp, degp, x, w_neigh, w_res)


@jax.jit
def kernel(x, edge_index, W_neigh, W_res):
    x = x.astype(jnp.float32)
    ei = edge_index.astype(jnp.int32)
    row = ei[0].reshape(NW, NCH, CH)
    col = ei[1].reshape(NW, NCH, CH)
    aggp, degp = _sc_aggregate(x.astype(jnp.bfloat16), row, col)
    return _tc_combine(aggp, degp.reshape(NC, N, 1), x, W_neigh, W_res)

# --- scband reference (transcript-rebuilt; emitter-appended) ---
"""Pipeline reference for scband-hignn-interface-47837345742946 (READ-ONLY COPY).

The authoritative reference and input builder live on the scoring server;
editing this copy changes nothing except your own understanding.
"""

import jax, jax.numpy as jnp
import numpy as np

N_NODES = 10000
N_EDGES = 320000
D = 128


def _normalize_w(w, eps=1e-4):
    # torch: norm over dims [1..], keepdim; norm = eps + norm * sqrt(norm.numel()/w.numel())
    norm = jnp.linalg.norm(w.astype(jnp.float32), axis=tuple(range(1, w.ndim)), keepdims=True)
    norm = eps + norm * np.sqrt(norm.size / w.size)
    return w / norm.astype(w.dtype)


def _mp_geolinear(x, w, gain=1.0):
    w = _normalize_w(w.astype(jnp.float32))
    w = w * (gain / np.sqrt(w.shape[1]))
    w = w.astype(x.dtype)
    return x @ w.T


def setup_inputs(seed: int = 0) -> dict:
    key = jax.random.key(seed)
    k1, k2, k3, k4 = jax.random.split(key, 4)
    x = jax.random.normal(k1, (N_NODES, D), dtype=jnp.float32)
    edge_index = jax.random.randint(k2, (2, N_EDGES), 0, N_NODES, dtype=jnp.int64)
    W_neigh = jax.random.normal(k3, (D, D), dtype=jnp.float32)
    W_res = jax.random.normal(k4, (D, D), dtype=jnp.float32)
    return {"x": x, "edge_index": edge_index, "W_neigh": W_neigh, "W_res": W_res}


def reference(x, edge_index, W_neigh, W_res):
    N = x.shape[0]
    row, col = edge_index[0], edge_index[1]
    # degree of destination nodes (col)
    deg = jnp.zeros((N,), dtype=x.dtype).at[col].add(jnp.ones((row.shape[0],), dtype=x.dtype))
    deg_inv = jnp.where(deg > 0, jax.lax.rsqrt(jnp.maximum(deg, 1.0)), 0.0)
    norm = deg_inv[col]
    # message: x_j * norm  (gather from source nodes)
    msg = x[row] * norm[:, None]
    # aggregate: scatter-add at destination nodes
    agg = jnp.zeros_like(x).at[col].add(msg)
    neighbourhood = _mp_geolinear(agg, W_neigh)
    residual = _mp_geolinear(x, W_res)
    # mp_sum(a, b, t=0.5) = lerp(a, b, 0.5) / sqrt(0.5)
    join = ((residual + neighbourhood) * 0.5) / np.sqrt(0.5)
    out = jnp.where((deg > 0)[:, None], join, residual)
    return out

if __name__ == "__main__":
    import jax
    _d = setup_inputs()
    print(jax.jit(kernel)(*tuple(_d.values())))

</pallas_src>

<mosaic_0001>
#map = affine_map<(d0, d1) -> (0, 0)>
#map1 = affine_map<(d0, d1) -> (0, 0, 0)>
module attributes {stable_mosaic.version = 14 : i64} {
  func.func @k(%arg0: i32, %arg1: i32, %arg2: memref<10000x128xbf16, #tpu.memory_space<hbm>>, %arg3: memref<32x125x80xi32, #tpu.memory_space<hbm>>, %arg4: memref<32x125x80xi32, #tpu.memory_space<hbm>>, %arg5: memref<2x10000x128xbf16, #tpu.memory_space<hbm>>, %arg6: memref<2x10000xf32, #tpu.memory_space<hbm>>, %arg7: memref<125x80xi32, #tpu.memory_space<vmem>>, %arg8: memref<125x80xi32, #tpu.memory_space<vmem>>, %arg9: memref<80x128xbf16, #tpu.memory_space<vmem>>, %arg10: memref<80x128xbf16, #tpu.memory_space<vmem>>, %arg11: memref<80x128xbf16, #tpu.memory_space<vmem>>, %arg12: memref<80x128xbf16, #tpu.memory_space<vmem>>, %arg13: memref<80x128xbf16, #tpu.memory_space<vmem>>, %arg14: memref<1000xf32, #tpu.memory_space<vmem>>, %arg15: memref<80xf32, #tpu.memory_space<vmem>>, %arg16: memref<10000x128xbf16, #tpu.memory_space<vmem_shared>>, %arg17: memref<10000xf32, #tpu.memory_space<vmem_shared>>, %arg18: memref<!tpu.dma_semaphore, #tpu.memory_space<semaphore_mem>>, %arg19: memref<!tpu.dma_semaphore, #tpu.memory_space<semaphore_mem>>, %arg20: memref<!tpu.dma_semaphore, #tpu.memory_space<semaphore_mem>>, %arg21: memref<!tpu.dma_semaphore, #tpu.memory_space<semaphore_mem>>, %arg22: memref<!tpu.dma_semaphore, #tpu.memory_space<semaphore_mem>>) attributes {dimension_semantics = [#tpu.dimension_semantics<core_parallel>, #tpu.dimension_semantics<subcore_parallel>], iteration_bounds = array<i64: 2, 16>, scalar_prefetch = 0 : i64, scratch_operands = 16 : i64, tpu.core_type = #tpu.core_type<sc_vector_subcore>, window_params = [{transform_indices = #map}, {transform_indices = #map1}, {transform_indices = #map1}, {transform_indices = #map1}, {transform_indices = #map}]} {
    %mul3A = arith.constant 2 : i32
    %mul3A_0 = arith.muli %arg1, %mul3A : i32
    %add3A = arith.addi %mul3A_0, %arg0 : i32
    %broadcast_in_dim3A = arith.constant 0.000000e+00 : f32
    %broadcast_in_dim3A_1 = vector.broadcast %broadcast_in_dim3A : f32 to vector<16xf32>
    %broadcast_in_dim3A_2 = arith.constant 0.000000e+00 : bf16
    %broadcast_in_dim3A_3 = vector.broadcast %broadcast_in_dim3A_2 : bf16 to vector<32xbf16>
    %scan3A = arith.constant 0 : i32
    %scan3A_4 = arith.constant 80 : i32
    %scan3A_5 = arith.addi %scan3A, %scan3A_4 : i32
    %scan3A_6 = arith.constant 1 : i32
    scf.for %scan3A_79 = %scan3A to %scan3A_5 step %scan3A_6  : i32 {
      %scan3A_80 = arith.constant 0 : i32
      %scan3A_81 = arith.constant 4 : i32
      %scan3A_82 = arith.addi %scan3A_80, %scan3A_81 : i32
      %scan3A_83 = arith.constant 1 : i32
      scf.for %scan3A_85 = %scan3A_80 to %scan3A_82 step %scan3A_83  : i32 {
        %mul3A_86 = arith.constant 32 : i32
        %mul3A_87 = arith.muli %scan3A_85, %mul3A_86 : i32
        %swap3A = arith.index_cast %scan3A_79 : i32 to index
        %swap3A_88 = arith.index_cast %mul3A_87 : i32 to index
        %swap3A_89 = tpu.vector_load %arg9[%swap3A, %swap3A_88] {strides = array<i32>} : memref<80x128xbf16, #tpu.memory_space<vmem>>, vector<1x32xbf16>,
        %swap3A_90 = vector.shape_cast %swap3A_89 : vector<1x32xbf16> to vector<32xbf16>
        %swap3A_91 = vector.shape_cast %broadcast_in_dim3A_3 : vector<32xbf16> to vector<1x32xbf16>
        tpu.vector_store %arg9[%swap3A, %swap3A_88], %swap3A_91 {strides = array<i32>} : memref<80x128xbf16, #tpu.memory_space<vmem>>, vector<1x32xbf16>,
      }
      %scan3A_84 = arith.constant 4 : i32
    }
    %scan3A_7 = arith.constant 80 : i32
    %scan3A_8 = arith.constant 0 : i32
    %scan3A_9 = arith.constant 62 : i32
    %scan3A_10 = arith.addi %scan3A_8, %scan3A_9 : i32
    %scan3A_11 = arith.constant 1 : i32
    scf.for %scan3A_79 = %scan3A_8 to %scan3A_10 step %scan3A_11  : i32 {
      %mul3A_80 = arith.constant 16 : i32
      %mul3A_81 = arith.muli %scan3A_79, %mul3A_80 : i32
      %swap3A = arith.index_cast %mul3A_81 : i32 to index
      %swap3A_82 = tpu.vector_load %arg14[%swap3A] {strides = array<i32>} : memref<1000xf32, #tpu.memory_space<vmem>>, vector<16xf32>,
      %swap3A_83 = vector.shape_cast %swap3A_82 : vector<16xf32> to vector<16xf32>
      %swap3A_84 = vector.shape_cast %broadcast_in_dim3A_1 : vector<16xf32> to vector<16xf32>
      tpu.vector_store %arg14[%swap3A], %swap3A_84 {strides = array<i32>} : memref<1000xf32, #tpu.memory_space<vmem>>, vector<16xf32>,
    }
    %scan3A_12 = arith.constant 62 : i32
    %scan3A_13 = arith.constant 0 : i32
    %scan3A_14 = arith.constant 5 : i32
    %scan3A_15 = arith.addi %scan3A_13, %scan3A_14 : i32
    %scan3A_16 = arith.constant 1 : i32
    scf.for %scan3A_79 = %scan3A_13 to %scan3A_15 step %scan3A_16  : i32 {
      %broadcast_in_dim3A_80 = arith.constant 1.000000e+00 : f32
      %broadcast_in_dim3A_81 = vector.broadcast %broadcast_in_dim3A_80 : f32 to vector<16xf32>
      %mul3A_82 = arith.constant 16 : i32
      %mul3A_83 = arith.muli %scan3A_79, %mul3A_82 : i32
      %swap3A = arith.index_cast %mul3A_83 : i32 to index
      %swap3A_84 = tpu.vector_load %arg15[%swap3A] {strides = array<i32>} : memref<80xf32, #tpu.memory_space<vmem>>, vector<16xf32>,
      %swap3A_85 = vector.shape_cast %swap3A_84 : vector<16xf32> to vector<16xf32>
      %swap3A_86 = vector.shape_cast %broadcast_in_dim3A_81 : vector<16xf32> to vector<16xf32>
      tpu.vector_store %arg15[%swap3A], %swap3A_86 {strides = array<i32>} : memref<80xf32, #tpu.memory_space<vmem>>, vector<16xf32>,
    }
    %scan3A_17 = arith.constant 5 : i32
    %scan3A_18 = arith.constant 0 : i32
    %scan3A_19 = arith.constant 7 : i32
    %scan3A_20 = arith.addi %scan3A_18, %scan3A_19 : i32
    %scan3A_21 = arith.constant 1 : i32
    scf.for %scan3A_79 = %scan3A_18 to %scan3A_20 step %scan3A_21  : i32 {
      %mul3A_80 = arith.constant 625 : i32
      %mul3A_81 = arith.muli %arg1, %mul3A_80 : i32
      %mul3A_82 = arith.constant 80 : i32
      %mul3A_83 = arith.muli %scan3A_79, %mul3A_82 : i32
      %add3A_84 = arith.addi %mul3A_81, %mul3A_83 : i32
      "tpu.region"() ({
        %run_scoped3A = tpu.sem_alloc : memref<!tpu.dma_semaphore, #tpu.memory_space<semaphore_mem>>
        %dma_start3A_85 = arith.constant 0 : i32
        %dma_start3A_86 = tpu.memref_slice %arg16[%add3A_84, %dma_start3A_85] : memref<10000x128xbf16, #tpu.memory_space<vmem_shared>> -> memref<80x128xbf16, #tpu.memory_space<vmem_shared>>
        %dma_start3A_87 = arith.constant 0 : i32
        %dma_start3A_88 = tpu.memref_slice %arg16[%add3A_84, %dma_start3A_87] : memref<10000x128xbf16, #tpu.memory_space<vmem_shared>> -> memref<80x128xbf16, #tpu.memory_space<vmem_shared>>
        tpu.enqueue_dma source(%arg9 : memref<80x128xbf16, #tpu.memory_space<vmem>>) target(%dma_start3A_88 : memref<80x128xbf16, #tpu.memory_space<vmem_shared>>) target_semaphore(%run_scoped3A : memref<!tpu.dma_semaphore, #tpu.memory_space<semaphore_mem>>)
        %dma_wait3A = arith.constant 0 : i32
        %dma_wait3A_89 = tpu.memref_slice %arg16[%add3A_84, %dma_wait3A] : memref<10000x128xbf16, #tpu.memory_space<vmem_shared>> -> memref<80x128xbf16, #tpu.memory_space<vmem_shared>>
        %dma_wait3A_90 = arith.constant 0 : i32
        %dma_wait3A_91 = tpu.memref_slice %arg16[%add3A_84, %dma_wait3A_90] : memref<10000x128xbf16, #tpu.memory_space<vmem_shared>> -> memref<80x128xbf16, #tpu.memory_space<vmem_shared>>
        tpu.wait_dma2 semaphore(%run_scoped3A : memref<!tpu.dma_semaphore, #tpu.memory_space<semaphore_mem>>) src(%arg9 : memref<80x128xbf16, #tpu.memory_space<vmem>>) dst(%dma_wait3A_91 : memref<80x128xbf16, #tpu.memory_space<vmem_shared>>)
        tpu.yield
      }) : () -> ()
    }
    %scan3A_22 = arith.constant 7 : i32
    %mul3A_23 = arith.constant 625 : i32
    %mul3A_24 = arith.muli %arg1, %mul3A_23 : i32
    %add3A_25 = arith.constant 625 : i32
    %add3A_26 = arith.addi %mul3A_24, %add3A_25 : i32
    %sub3A = arith.constant 65 : i32
    %sub3A_27 = arith.subi %add3A_26, %sub3A : i32
    "tpu.region"() ({
      %run_scoped3A = tpu.sem_alloc : memref<!tpu.dma_semaphore, #tpu.memory_space<semaphore_mem>>
      %dma_start3A_79 = arith.constant 0 : i32
      %dma_start3A_80 = arith.constant 0 : i32
      %dma_start3A_81 = tpu.memref_slice %arg9[%dma_start3A_79, %dma_start3A_80] : memref<80x128xbf16, #tpu.memory_space<vmem>> -> memref<65x128xbf16, #tpu.memory_space<vmem>>
      %dma_start3A_82 = arith.constant 0 : i32
      %dma_start3A_83 = tpu.memref_slice %arg16[%sub3A_27, %dma_start3A_82] : memref<10000x128xbf16, #tpu.memory_space<vmem_shared>> -> memref<65x128xbf16, #tpu.memory_space<vmem_shared>>
      %dma_start3A_84 = arith.constant 0 : i32
      %dma_start3A_85 = tpu.memref_slice %arg16[%sub3A_27, %dma_start3A_84] : memref<10000x128xbf16, #tpu.memory_space<vmem_shared>> -> memref<65x128xbf16, #tpu.memory_space<vmem_shared>>
      %dma_start3A_86 = arith.constant 0 : i32
      %dma_start3A_87 = arith.constant 0 : i32
      %dma_start3A_88 = tpu.memref_slice %arg9[%dma_start3A_86, %dma_start3A_87] : memref<80x128xbf16, #tpu.memory_space<vmem>> -> memref<65x128xbf16, #tpu.memory_space<vmem>>
      tpu.enqueue_dma source(%dma_start3A_88 : memref<65x128xbf16, #tpu.memory_space<vmem>>) target(%dma_start3A_85 : memref<65x128xbf16, #tpu.memory_space<vmem_shared>>) target_semaphore(%run_scoped3A : memref<!tpu.dma_semaphore, #tpu.memory_space<semaphore_mem>>)
      %dma_wait3A = arith.constant 0 : i32
      %dma_wait3A_89 = arith.constant 0 : i32
      %dma_wait3A_90 = tpu.memref_slice %arg9[%dma_wait3A, %dma_wait3A_89] : memref<80x128xbf16, #tpu.memory_space<vmem>> -> memref<65x128xbf16, #tpu.memory_space<vmem>>
      %dma_wait3A_91 = arith.constant 0 : i32
      %dma_wait3A_92 = tpu.memref_slice %arg16[%sub3A_27, %dma_wait3A_91] : memref<10000x128xbf16, #tpu.memory_space<vmem_shared>> -> memref<65x128xbf16, #tpu.memory_space<vmem_shared>>
      %dma_wait3A_93 = arith.constant 0 : i32
      %dma_wait3A_94 = tpu.memref_slice %arg16[%sub3A_27, %dma_wait3A_93] : memref<10000x128xbf16, #tpu.memory_space<vmem_shared>> -> memref<65x128xbf16, #tpu.memory_space<vmem_shared>>
      %dma_wait3A_95 = arith.constant 0 : i32
      %dma_wait3A_96 = arith.constant 0 : i32
      %dma_wait3A_97 = tpu.memref_slice %arg9[%dma_wait3A_95, %dma_wait3A_96] : memref<80x128xbf16, #tpu.memory_space<vmem>> -> memref<65x128xbf16, #tpu.memory_space<vmem>>
      tpu.wait_dma2 semaphore(%run_scoped3A : memref<!tpu.dma_semaphore, #tpu.memory_space<semaphore_mem>>) src(%dma_wait3A_97 : memref<65x128xbf16, #tpu.memory_space<vmem>>) dst(%dma_wait3A_94 : memref<65x128xbf16, #tpu.memory_space<vmem_shared>>)
      tpu.yield
    }) : () -> ()
    %lt3A = arith.constant 10 : i32
    %lt3A_28 = arith.cmpi slt, %arg1, %lt3A : i32
    %convert_element_type3A = arith.extui %lt3A_28 : i1 to i32
    %cond3A = arith.constant 0 : i32
    %cond3A_29 = arith.cmpi ne, %convert_element_type3A, %cond3A : i32
    scf.if %cond3A_29 {
      %mul3A_79 = arith.constant 1000 : i32
      %mul3A_80 = arith.muli %arg1, %mul3A_79 : i32
      "tpu.region"() ({
        %run_scoped3A = tpu.sem_alloc : memref<!tpu.dma_semaphore, #tpu.memory_space<semaphore_mem>>
        %dma_start3A_81 = tpu.memref_slice %arg17[%mul3A_80] : memref<10000xf32, #tpu.memory_space<vmem_shared>> -> memref<1000xf32, #tpu.memory_space<vmem_shared>>
        %dma_start3A_82 = tpu.memref_slice %arg17[%mul3A_80] : memref<10000xf32, #tpu.memory_space<vmem_shared>> -> memref<1000xf32, #tpu.memory_space<vmem_shared>>
        tpu.enqueue_dma source(%arg14 : memref<1000xf32, #tpu.memory_space<vmem>>) target(%dma_start3A_82 : memref<1000xf32, #tpu.memory_space<vmem_shared>>) target_semaphore(%run_scoped3A : memref<!tpu.dma_semaphore, #tpu.memory_space<semaphore_mem>>)
        %dma_wait3A = tpu.memref_slice %arg17[%mul3A_80] : memref<10000xf32, #tpu.memory_space<vmem_shared>> -> memref<1000xf32, #tpu.memory_space<vmem_shared>>
        %dma_wait3A_83 = tpu.memref_slice %arg17[%mul3A_80] : memref<10000xf32, #tpu.memory_space<vmem_shared>> -> memref<1000xf32, #tpu.memory_space<vmem_shared>>
        tpu.wait_dma2 semaphore(%run_scoped3A : memref<!tpu.dma_semaphore, #tpu.memory_space<semaphore_mem>>) src(%arg14 : memref<1000xf32, #tpu.memory_space<vmem>>) dst(%dma_wait3A_83 : memref<1000xf32, #tpu.memory_space<vmem_shared>>)
        tpu.yield
      }) : () -> ()
    } else {
    }
    "tpu.region"() ({
      %run_scoped3A = tpu.sem_alloc : memref<!tpu.dma_semaphore, #tpu.memory_space<semaphore_mem>>
      %dma_start3A_79 = arith.constant 0 : i32
      %dma_start3A_80 = arith.constant 0 : i32
      %dma_start3A_81 = tpu.memref_slice %arg3[%add3A, %dma_start3A_79, %dma_start3A_80] : memref<32x125x80xi32, #tpu.memory_space<hbm>> -> memref<1x125x80xi32, #tpu.memory_space<hbm>>
      %dma_start3A_82 = tpu.memref_squeeze %dma_start3A_81 : memref<1x125x80xi32, #tpu.memory_space<hbm>> -> memref<125x80xi32, #tpu.memory_space<hbm>>
      %dma_start3A_83 = arith.constant 0 : i32
      %dma_start3A_84 = arith.constant 0 : i32
      %dma_start3A_85 = tpu.memref_slice %arg3[%add3A, %dma_start3A_83, %dma_start3A_84] : memref<32x125x80xi32, #tpu.memory_space<hbm>> -> memref<1x125x80xi32, #tpu.memory_space<hbm>>
      %dma_start3A_86 = tpu.memref_squeeze %dma_start3A_85 : memref<1x125x80xi32, #tpu.memory_space<hbm>> -> memref<125x80xi32, #tpu.memory_space<hbm>>
      tpu.enqueue_dma source(%dma_start3A_86 : memref<125x80xi32, #tpu.memory_space<hbm>>) target(%arg7 : memref<125x80xi32, #tpu.memory_space<vmem>>) target_semaphore(%run_scoped3A : memref<!tpu.dma_semaphore, #tpu.memory_space<semaphore_mem>>)
      %dma_wait3A = arith.constant 0 : i32
      %dma_wait3A_87 = arith.constant 0 : i32
      %dma_wait3A_88 = tpu.memref_slice %arg3[%add3A, %dma_wait3A, %dma_wait3A_87] : memref<32x125x80xi32, #tpu.memory_space<hbm>> -> memref<1x125x80xi32, #tpu.memory_space<hbm>>
      %dma_wait3A_89 = tpu.memref_squeeze %dma_wait3A_88 : memref<1x125x80xi32, #tpu.memory_space<hbm>> -> memref<125x80xi32, #tpu.memory_space<hbm>>
      %dma_wait3A_90 = arith.constant 0 : i32
      %dma_wait3A_91 = arith.constant 0 : i32
      %dma_wait3A_92 = tpu.memref_slice %arg3[%add3A, %dma_wait3A_90, %dma_wait3A_91] : memref<32x125x80xi32, #tpu.memory_space<hbm>> -> memref<1x125x80xi32, #tpu.memory_space<hbm>>
      %dma_wait3A_93 = tpu.memref_squeeze %dma_wait3A_92 : memref<1x125x80xi32, #tpu.memory_space<hbm>> -> memref<125x80xi32, #tpu.memory_space<hbm>>
      tpu.wait_dma2 semaphore(%run_scoped3A : memref<!tpu.dma_semaphore, #tpu.memory_space<semaphore_mem>>) src(%dma_wait3A_93 : memref<125x80xi32, #tpu.memory_space<hbm>>) dst(%arg7 : memref<125x80xi32, #tpu.memory_space<vmem>>)
      tpu.yield
    }) : () -> ()
    "tpu.region"() ({
      %run_scoped3A = tpu.sem_alloc : memref<!tpu.dma_semaphore, #tpu.memory_space<semaphore_mem>>
      %dma_start3A_79 = arith.constant 0 : i32
      %dma_start3A_80 = arith.constant 0 : i32
      %dma_start3A_81 = tpu.memref_slice %arg4[%add3A, %dma_start3A_79, %dma_start3A_80] : memref<32x125x80xi32, #tpu.memory_space<hbm>> -> memref<1x125x80xi32, #tpu.memory_space<hbm>>
      %dma_start3A_82 = tpu.memref_squeeze %dma_start3A_81 : memref<1x125x80xi32, #tpu.memory_space<hbm>> -> memref<125x80xi32, #tpu.memory_space<hbm>>
      %dma_start3A_83 = arith.constant 0 : i32
      %dma_start3A_84 = arith.constant 0 : i32
      %dma_start3A_85 = tpu.memref_slice %arg4[%add3A, %dma_start3A_83, %dma_start3A_84] : memref<32x125x80xi32, #tpu.memory_space<hbm>> -> memref<1x125x80xi32, #tpu.memory_space<hbm>>
      %dma_start3A_86 = tpu.memref_squeeze %dma_start3A_85 : memref<1x125x80xi32, #tpu.memory_space<hbm>> -> memref<125x80xi32, #tpu.memory_space<hbm>>
      tpu.enqueue_dma source(%dma_start3A_86 : memref<125x80xi32, #tpu.memory_space<hbm>>) target(%arg8 : memref<125x80xi32, #tpu.memory_space<vmem>>) target_semaphore(%run_scoped3A : memref<!tpu.dma_semaphore, #tpu.memory_space<semaphore_mem>>)
      %dma_wait3A = arith.constant 0 : i32
      %dma_wait3A_87 = arith.constant 0 : i32
      %dma_wait3A_88 = tpu.memref_slice %arg4[%add3A, %dma_wait3A, %dma_wait3A_87] : memref<32x125x80xi32, #tpu.memory_space<hbm>> -> memref<1x125x80xi32, #tpu.memory_space<hbm>>
      %dma_wait3A_89 = tpu.memref_squeeze %dma_wait3A_88 : memref<1x125x80xi32, #tpu.memory_space<hbm>> -> memref<125x80xi32, #tpu.memory_space<hbm>>
      %dma_wait3A_90 = arith.constant 0 : i32
      %dma_wait3A_91 = arith.constant 0 : i32
      %dma_wait3A_92 = tpu.memref_slice %arg4[%add3A, %dma_wait3A_90, %dma_wait3A_91] : memref<32x125x80xi32, #tpu.memory_space<hbm>> -> memref<1x125x80xi32, #tpu.memory_space<hbm>>
      %dma_wait3A_93 = tpu.memref_squeeze %dma_wait3A_92 : memref<1x125x80xi32, #tpu.memory_space<hbm>> -> memref<125x80xi32, #tpu.memory_space<hbm>>
      tpu.wait_dma2 semaphore(%run_scoped3A : memref<!tpu.dma_semaphore, #tpu.memory_space<semaphore_mem>>) src(%dma_wait3A_93 : memref<125x80xi32, #tpu.memory_space<hbm>>) dst(%arg8 : memref<125x80xi32, #tpu.memory_space<vmem>>)
      tpu.yield
    }) : () -> ()
    %barrier3A = arith.constant 0 : index
    tpu.barrier barrier_id(%barrier3A)
    %dma_start3A = arith.constant 0 : i32
    %dma_start3A_30 = arith.constant 0 : i32
    %dma_start3A_31 = tpu.memref_slice %arg7[%dma_start3A, %dma_start3A_30] : memref<125x80xi32, #tpu.memory_space<vmem>> -> memref<1x80xi32, #tpu.memory_space<vmem>>
    %dma_start3A_32 = tpu.memref_squeeze %dma_start3A_31 : memref<1x80xi32, #tpu.memory_space<vmem>> -> memref<80xi32, #tpu.memory_space<vmem>>
    %dma_start3A_33 = arith.constant 0 : i32
    %dma_start3A_34 = arith.constant 0 : i32
    %dma_start3A_35 = tpu.memref_slice %arg2[%dma_start3A_33, %dma_start3A_34] : memref<10000x128xbf16, #tpu.memory_space<hbm>> -> memref<10000x128xbf16, #tpu.memory_space<hbm>>
    tpu.enqueue_indirect_dma source(%dma_start3A_35 : memref<10000x128xbf16, #tpu.memory_space<hbm>>) target(%arg9 : memref<80x128xbf16, #tpu.memory_space<vmem>>) offsets(%dma_start3A_32 : memref<80xi32, #tpu.memory_space<vmem>>) semaphore(%arg18 : memref<!tpu.dma_semaphore, #tpu.memory_space<semaphore_mem>>)
    %dma_start3A_36 = arith.constant 1 : i32
    %dma_start3A_37 = arith.constant 0 : i32
    %dma_start3A_38 = tpu.memref_slice %arg7[%dma_start3A_36, %dma_start3A_37] : memref<125x80xi32, #tpu.memory_space<vmem>> -> memref<1x80xi32, #tpu.memory_space<vmem>>
    %dma_start3A_39 = tpu.memref_squeeze %dma_start3A_38 : memref<1x80xi32, #tpu.memory_space<vmem>> -> memref<80xi32, #tpu.memory_space<vmem>>
    %dma_start3A_40 = arith.constant 0 : i32
    %dma_start3A_41 = arith.constant 0 : i32
    %dma_start3A_42 = tpu.memref_slice %arg2[%dma_start3A_40, %dma_start3A_41] : memref<10000x128xbf16, #tpu.memory_space<hbm>> -> memref<10000x128xbf16, #tpu.memory_space<hbm>>
    tpu.enqueue_indirect_dma source(%dma_start3A_42 : memref<10000x128xbf16, #tpu.memory_space<hbm>>) target(%arg10 : memref<80x128xbf16, #tpu.memory_space<vmem>>) offsets(%dma_start3A_39 : memref<80xi32, #tpu.memory_space<vmem>>) semaphore(%arg19 : memref<!tpu.dma_semaphore, #tpu.memory_space<semaphore_mem>>)
    %dma_start3A_43 = arith.constant 2 : i32
    %dma_start3A_44 = arith.constant 0 : i32
    %dma_start3A_45 = tpu.memref_slice %arg7[%dma_start3A_43, %dma_start3A_44] : memref<125x80xi32, #tpu.memory_space<vmem>> -> memref<1x80xi32, #tpu.memory_space<vmem>>
    %dma_start3A_46 = tpu.memref_squeeze %dma_start3A_45 : memref<1x80xi32, #tpu.memory_space<vmem>> -> memref<80xi32, #tpu.memory_space<vmem>>
    %dma_start3A_47 = arith.constant 0 : i32
    %dma_start3A_48 = arith.constant 0 : i32
    %dma_start3A_49 = tpu.memref_slice %arg2[%dma_start3A_47, %dma_start3A_48] : memref<10000x128xbf16, #tpu.memory_space<hbm>> -> memref<10000x128xbf16, #tpu.memory_space<hbm>>
    tpu.enqueue_indirect_dma source(%dma_start3A_49 : memref<10000x128xbf16, #tpu.memory_space<hbm>>) target(%arg11 : memref<80x128xbf16, #tpu.memory_space<vmem>>) offsets(%dma_start3A_46 : memref<80xi32, #tpu.memory_space<vmem>>) semaphore(%arg20 : memref<!tpu.dma_semaphore, #tpu.memory_space<semaphore_mem>>)
    %dma_start3A_50 = arith.constant 3 : i32
    %dma_start3A_51 = arith.constant 0 : i32
    %dma_start3A_52 = tpu.memref_slice %arg7[%dma_start3A_50, %dma_start3A_51] : memref<125x80xi32, #tpu.memory_space<vmem>> -> memref<1x80xi32, #tpu.memory_space<vmem>>
    %dma_start3A_53 = tpu.memref_squeeze %dma_start3A_52 : memref<1x80xi32, #tpu.memory_space<vmem>> -> memref<80xi32, #tpu.memory_space<vmem>>
    %dma_start3A_54 = arith.constant 0 : i32
    %dma_start3A_55 = arith.constant 0 : i32
    %dma_start3A_56 = tpu.memref_slice %arg2[%dma_start3A_54, %dma_start3A_55] : memref<10000x128xbf16, #tpu.memory_space<hbm>> -> memref<10000x128xbf16, #tpu.memory_space<hbm>>
    tpu.enqueue_indirect_dma source(%dma_start3A_56 : memref<10000x128xbf16, #tpu.memory_space<hbm>>) target(%arg12 : memref<80x128xbf16, #tpu.memory_space<vmem>>) offsets(%dma_start3A_53 : memref<80xi32, #tpu.memory_space<vmem>>) semaphore(%arg21 : memref<!tpu.dma_semaphore, #tpu.memory_space<semaphore_mem>>)
    %dma_start3A_57 = arith.constant 4 : i32
    %dma_start3A_58 = arith.constant 0 : i32
    %dma_start3A_59 = tpu.memref_slice %arg7[%dma_start3A_57, %dma_start3A_58] : memref<125x80xi32, #tpu.memory_space<vmem>> -> memref<1x80xi32, #tpu.memory_space<vmem>>
    %dma_start3A_60 = tpu.memref_squeeze %dma_start3A_59 : memref<1x80xi32, #tpu.memory_space<vmem>> -> memref<80xi32, #tpu.memory_space<vmem>>
    %dma_start3A_61 = arith.constant 0 : i32
    %dma_start3A_62 = arith.constant 0 : i32
    %dma_start3A_63 = tpu.memref_slice %arg2[%dma_start3A_61, %dma_start3A_62] : memref<10000x128xbf16, #tpu.memory_space<hbm>> -> memref<10000x128xbf16, #tpu.memory_space<hbm>>
    tpu.enqueue_indirect_dma source(%dma_start3A_63 : memref<10000x128xbf16, #tpu.memory_space<hbm>>) target(%arg13 : memref<80x128xbf16, #tpu.memory_space<vmem>>) offsets(%dma_start3A_60 : memref<80xi32, #tpu.memory_space<vmem>>) semaphore(%arg22 : memref<!tpu.dma_semaphore, #tpu.memory_space<semaphore_mem>>)
    %scan3A_64 = arith.constant 0 : i32
    %scan3A_65 = arith.constant 25 : i32
    %scan3A_66 = arith.addi %scan3A_64, %scan3A_65 : i32
    %scan3A_67 = arith.constant 1 : i32
    scf.for %scan3A_79 = %scan3A_64 to %scan3A_66 step %scan3A_67  : i32 {
      %mul3A_80 = arith.constant 5 : i32
      %mul3A_81 = arith.muli %scan3A_79, %mul3A_80 : i32
      %add3A_82 = arith.constant 0 : i32
      %add3A_83 = arith.addi %mul3A_81, %add3A_82 : i32
      %dma_wait3A = arith.constant 0 : i32
      %dma_wait3A_84 = tpu.memref_slice %arg7[%add3A_83, %dma_wait3A] : memref<125x80xi32, #tpu.memory_space<vmem>> -> memref<1x80xi32, #tpu.memory_space<vmem>>
      %dma_wait3A_85 = tpu.memref_squeeze %dma_wait3A_84 : memref<1x80xi32, #tpu.memory_space<vmem>> -> memref<80xi32, #tpu.memory_space<vmem>>
      %dma_wait3A_86 = arith.constant 0 : i32
      %dma_wait3A_87 = arith.constant 0 : i32
      %dma_wait3A_88 = tpu.memref_slice %arg2[%dma_wait3A_86, %dma_wait3A_87] : memref<10000x128xbf16, #tpu.memory_space<hbm>> -> memref<10000x128xbf16, #tpu.memory_space<hbm>>
      tpu.wait_indirect_dma semaphore(%arg18 : memref<!tpu.dma_semaphore, #tpu.memory_space<semaphore_mem>>) src(%dma_wait3A_88 : memref<10000x128xbf16, #tpu.memory_space<hbm>>) dst(%arg9 : memref<80x128xbf16, #tpu.memory_space<vmem>>)
      %add3A_89 = arith.constant 0 : i32
      %add3A_90 = arith.addi %mul3A_81, %add3A_89 : i32
      "tpu.region"() ({
        %run_scoped3A = tpu.sem_alloc : memref<!tpu.dma_semaphore, #tpu.memory_space<semaphore_mem>>
        %dma_start3A_176 = arith.constant 0 : i32
        %dma_start3A_177 = tpu.memref_slice %arg8[%add3A_90, %dma_start3A_176] : memref<125x80xi32, #tpu.memory_space<vmem>> -> memref<1x80xi32, #tpu.memory_space<vmem>>
        %dma_start3A_178 = tpu.memref_squeeze %dma_start3A_177 : memref<1x80xi32, #tpu.memory_space<vmem>> -> memref<80xi32, #tpu.memory_space<vmem>>
        %dma_start3A_179 = arith.constant 0 : i32
        %dma_start3A_180 = arith.constant 0 : i32
        %dma_start3A_181 = tpu.memref_slice %arg16[%dma_start3A_179, %dma_start3A_180] : memref<10000x128xbf16, #tpu.memory_space<vmem_shared>> -> memref<10000x128xbf16, #tpu.memory_space<vmem_shared>>
        tpu.enqueue_indirect_dma source(%arg9 : memref<80x128xbf16, #tpu.memory_space<vmem>>) target(%dma_start3A_181 : memref<10000x128xbf16, #tpu.memory_space<vmem_shared>>) offsets(%dma_start3A_178 : memref<80xi32, #tpu.memory_space<vmem>>) semaphore(%run_scoped3A : memref<!tpu.dma_semaphore, #tpu.memory_space<semaphore_mem>>) {add = true}
        %dma_wait3A_182 = arith.constant 0 : i32
        %dma_wait3A_183 = tpu.memref_slice %arg8[%add3A_90, %dma_wait3A_182] : memref<125x80xi32, #tpu.memory_space<vmem>> -> memref<1x80xi32, #tpu.memory_space<vmem>>
        %dma_wait3A_184 = tpu.memref_squeeze %dma_wait3A_183 : memref<1x80xi32, #tpu.memory_space<vmem>> -> memref<80xi32, #tpu.memory_space<vmem>>
        %dma_wait3A_185 = arith.constant 0 : i32
        %dma_wait3A_186 = arith.constant 0 : i32
        %dma_wait3A_187 = tpu.memref_slice %arg16[%dma_wait3A_185, %dma_wait3A_186] : memref<10000x128xbf16, #tpu.memory_space<vmem_shared>> -> memref<10000x128xbf16, #tpu.memory_space<vmem_shared>>
        tpu.wait_indirect_dma semaphore(%run_scoped3A : memref<!tpu.dma_semaphore, #tpu.memory_space<semaphore_mem>>) src(%arg9 : memref<80x128xbf16, #tpu.memory_space<vmem>>) dst(%dma_wait3A_187 : memref<10000x128xbf16, #tpu.memory_space<vmem_shared>>)
        tpu.yield
      }) : () -> ()
      "tpu.region"() ({
        %run_scoped3A = tpu.sem_alloc : memref<!tpu.dma_semaphore, #tpu.memory_space<semaphore_mem>>
        %dma_start3A_176 = arith.constant 0 : i32
        %dma_start3A_177 = tpu.memref_slice %arg8[%add3A_90, %dma_start3A_176] : memref<125x80xi32, #tpu.memory_space<vmem>> -> memref<1x80xi32, #tpu.memory_space<vmem>>
        %dma_start3A_178 = tpu.memref_squeeze %dma_start3A_177 : memref<1x80xi32, #tpu.memory_space<vmem>> -> memref<80xi32, #tpu.memory_space<vmem>>
        %dma_start3A_179 = arith.constant 0 : i32
        %dma_start3A_180 = tpu.memref_slice %arg17[%dma_start3A_179] : memref<10000xf32, #tpu.memory_space<vmem_shared>> -> memref<10000xf32, #tpu.memory_space<vmem_shared>>
        tpu.enqueue_indirect_dma source(%arg15 : memref<80xf32, #tpu.memory_space<vmem>>) target(%dma_start3A_180 : memref<10000xf32, #tpu.memory_space<vmem_shared>>) offsets(%dma_start3A_178 : memref<80xi32, #tpu.memory_space<vmem>>) semaphore(%run_scoped3A : memref<!tpu.dma_semaphore, #tpu.memory_space<semaphore_mem>>) {add = true}
        %dma_wait3A_181 = arith.constant 0 : i32
        %dma_wait3A_182 = tpu.memref_slice %arg8[%add3A_90, %dma_wait3A_181] : memref<125x80xi32, #tpu.memory_space<vmem>> -> memref<1x80xi32, #tpu.memory_space<vmem>>
        %dma_wait3A_183 = tpu.memref_squeeze %dma_wait3A_182 : memref<1x80xi32, #tpu.memory_space<vmem>> -> memref<80xi32, #tpu.memory_space<vmem>>
        %dma_wait3A_184 = arith.constant 0 : i32
        %dma_wait3A_185 = tpu.memref_slice %arg17[%dma_wait3A_184] : memref<10000xf32, #tpu.memory_space<vmem_shared>> -> memref<10000xf32, #tpu.memory_space<vmem_shared>>
        tpu.wait_indirect_dma semaphore(%run_scoped3A : memref<!tpu.dma_semaphore, #tpu.memory_space<semaphore_mem>>) src(%arg15 : memref<80xf32, #tpu.memory_space<vmem>>) dst(%dma_wait3A_185 : memref<10000xf32, #tpu.memory_space<vmem_shared>>)
        tpu.yield
      }) : () -> ()
      %add3A_91 = arith.constant 5 : i32
      %add3A_92 = arith.addi %mul3A_81, %add3A_91 : i32
      %add3A_93 = arith.constant 0 : i32
      %add3A_94 = arith.addi %add3A_92, %add3A_93 : i32
      %lt3A_95 = arith.constant 125 : i32
      %lt3A_96 = arith.cmpi slt, %add3A_94, %lt3A_95 : i32
      %convert_element_type3A_97 = arith.extui %lt3A_96 : i1 to i32
      %cond3A_98 = arith.constant 0 : i32
      %cond3A_99 = arith.cmpi ne, %convert_element_type3A_97, %cond3A_98 : i32
      scf.if %cond3A_99 {
        %dma_start3A_176 = arith.constant 0 : i32
        %dma_start3A_177 = tpu.memref_slice %arg7[%add3A_94, %dma_start3A_176] : memref<125x80xi32, #tpu.memory_space<vmem>> -> memref<1x80xi32, #tpu.memory_space<vmem>>
        %dma_start3A_178 = tpu.memref_squeeze %dma_start3A_177 : memref<1x80xi32, #tpu.memory_space<vmem>> -> memref<80xi32, #tpu.memory_space<vmem>>
        %dma_start3A_179 = arith.constant 0 : i32
        %dma_start3A_180 = arith.constant 0 : i32
        %dma_start3A_181 = tpu.memref_slice %arg2[%dma_start3A_179, %dma_start3A_180] : memref<10000x128xbf16, #tpu.memory_space<hbm>> -> memref<10000x128xbf16, #tpu.memory_space<hbm>>
        tpu.enqueue_indirect_dma source(%dma_start3A_181 : memref<10000x128xbf16, #tpu.memory_space<hbm>>) target(%arg9 : memref<80x128xbf16, #tpu.memory_space<vmem>>) offsets(%dma_start3A_178 : memref<80xi32, #tpu.memory_space<vmem>>) semaphore(%arg18 : memref<!tpu.dma_semaphore, #tpu.memory_space<semaphore_mem>>)
      } else {
      }
      %add3A_100 = arith.constant 1 : i32
      %add3A_101 = arith.addi %mul3A_81, %add3A_100 : i32
      %dma_wait3A_102 = arith.constant 0 : i32
      %dma_wait3A_103 = tpu.memref_slice %arg7[%add3A_101, %dma_wait3A_102] : memref<125x80xi32, #tpu.memory_space<vmem>> -> memref<1x80xi32, #tpu.memory_space<vmem>>
      %dma_wait3A_104 = tpu.memref_squeeze %dma_wait3A_103 : memref<1x80xi32, #tpu.memory_space<vmem>> -> memref<80xi32, #tpu.memory_space<vmem>>
      %dma_wait3A_105 = arith.constant 0 : i32
      %dma_wait3A_106 = arith.constant 0 : i32
      %dma_wait3A_107 = tpu.memref_slice %arg2[%dma_wait3A_105, %dma_wait3A_106] : memref<10000x128xbf16, #tpu.memory_space<hbm>> -> memref<10000x128xbf16, #tpu.memory_space<hbm>>
      tpu.wait_indirect_dma semaphore(%arg19 : memref<!tpu.dma_semaphore, #tpu.memory_space<semaphore_mem>>) src(%dma_wait3A_107 : memref<10000x128xbf16, #tpu.memory_space<hbm>>) dst(%arg10 : memref<80x128xbf16, #tpu.memory_space<vmem>>)
      %add3A_108 = arith.constant 1 : i32
      %add3A_109 = arith.addi %mul3A_81, %add3A_108 : i32
      "tpu.region"() ({
        %run_scoped3A = tpu.sem_alloc : memref<!tpu.dma_semaphore, #tpu.memory_space<semaphore_mem>>
        %dma_start3A_176 = arith.constant 0 : i32
        %dma_start3A_177 = tpu.memref_slice %arg8[%add3A_109, %dma_start3A_176] : memref<125x80xi32, #tpu.memory_space<vmem>> -> memref<1x80xi32, #tpu.memory_space<vmem>>
        %dma_start3A_178 = tpu.memref_squeeze %dma_start3A_177 : memref<1x80xi32, #tpu.memory_space<vmem>> -> memref<80xi32, #tpu.memory_space<vmem>>
        %dma_start3A_179 = arith.constant 0 : i32
        %dma_start3A_180 = arith.constant 0 : i32
        %dma_start3A_181 = tpu.memref_slice %arg16[%dma_start3A_179, %dma_start3A_180] : memref<10000x128xbf16, #tpu.memory_space<vmem_shared>> -> memref<10000x128xbf16, #tpu.memory_space<vmem_shared>>
        tpu.enqueue_indirect_dma source(%arg10 : memref<80x128xbf16, #tpu.memory_space<vmem>>) target(%dma_start3A_181 : memref<10000x128xbf16, #tpu.memory_space<vmem_shared>>) offsets(%dma_start3A_178 : memref<80xi32, #tpu.memory_space<vmem>>) semaphore(%run_scoped3A : memref<!tpu.dma_semaphore, #tpu.memory_space<semaphore_mem>>) {add = true}
        %dma_wait3A_182 = arith.constant 0 : i32
        %dma_wait3A_183 = tpu.memref_slice %arg8[%add3A_109, %dma_wait3A_182] : memref<125x80xi32, #tpu.memory_space<vmem>> -> memref<1x80xi32, #tpu.memory_space<vmem>>
        %dma_wait3A_184 = tpu.memref_squeeze %dma_wait3A_183 : memref<1x80xi32, #tpu.memory_space<vmem>> -> memref<80xi32, #tpu.memory_space<vmem>>
        %dma_wait3A_185 = arith.constant 0 : i32
        %dma_wait3A_186 = arith.constant 0 : i32
        %dma_wait3A_187 = tpu.memref_slice %arg16[%dma_wait3A_185, %dma_wait3A_186] : memref<10000x128xbf16, #tpu.memory_space<vmem_shared>> -> memref<10000x128xbf16, #tpu.memory_space<vmem_shared>>
        tpu.wait_indirect_dma semaphore(%run_scoped3A : memref<!tpu.dma_semaphore, #tpu.memory_space<semaphore_mem>>) src(%arg10 : memref<80x128xbf16, #tpu.memory_space<vmem>>) dst(%dma_wait3A_187 : memref<10000x128xbf16, #tpu.memory_space<vmem_shared>>)
        tpu.yield
      }) : () -> ()
      "tpu.region"() ({
        %run_scoped3A = tpu.sem_alloc : memref<!tpu.dma_semaphore, #tpu.memory_space<semaphore_mem>>
        %dma_start3A_176 = arith.constant 0 : i32
        %dma_start3A_177 = tpu.memref_slice %arg8[%add3A_109, %dma_start3A_176] : memref<125x80xi32, #tpu.memory_space<vmem>> -> memref<1x80xi32, #tpu.memory_space<vmem>>
        %dma_start3A_178 = tpu.memref_squeeze %dma_start3A_177 : memref<1x80xi32, #tpu.memory_space<vmem>> -> memref<80xi32, #tpu.memory_space<vmem>>
        %dma_start3A_179 = arith.constant 0 : i32
        %dma_start3A_180 = tpu.memref_slice %arg17[%dma_start3A_179] : memref<10000xf32, #tpu.memory_space<vmem_shared>> -> memref<10000xf32, #tpu.memory_space<vmem_shared>>
        tpu.enqueue_indirect_dma source(%arg15 : memref<80xf32, #tpu.memory_space<vmem>>) target(%dma_start3A_180 : memref<10000xf32, #tpu.memory_space<vmem_shared>>) offsets(%dma_start3A_178 : memref<80xi32, #tpu.memory_space<vmem>>) semaphore(%run_scoped3A : memref<!tpu.dma_semaphore, #tpu.memory_space<semaphore_mem>>) {add = true}
        %dma_wait3A_181 = arith.constant 0 : i32
        %dma_wait3A_182 = tpu.memref_slice %arg8[%add3A_109, %dma_wait3A_181] : memref<125x80xi32, #tpu.memory_space<vmem>> -> memref<1x80xi32, #tpu.memory_space<vmem>>
        %dma_wait3A_183 = tpu.memref_squeeze %dma_wait3A_182 : memref<1x80xi32, #tpu.memory_space<vmem>> -> memref<80xi32, #tpu.memory_space<vmem>>
        %dma_wait3A_184 = arith.constant 0 : i32
        %dma_wait3A_185 = tpu.memref_slice %arg17[%dma_wait3A_184] : memref<10000xf32, #tpu.memory_space<vmem_shared>> -> memref<10000xf32, #tpu.memory_space<vmem_shared>>
        tpu.wait_indirect_dma semaphore(%run_scoped3A : memref<!tpu.dma_semaphore, #tpu.memory_space<semaphore_mem>>) src(%arg15 : memref<80xf32, #tpu.memory_space<vmem>>) dst(%dma_wait3A_185 : memref<10000xf32, #tpu.memory_space<vmem_shared>>)
        tpu.yield
      }) : () -> ()
      %add3A_110 = arith.constant 5 : i32
      %add3A_111 = arith.addi %mul3A_81, %add3A_110 : i32
      %add3A_112 = arith.constant 1 : i32
      %add3A_113 = arith.addi %add3A_111, %add3A_112 : i32
      %lt3A_114 = arith.constant 125 : i32
      %lt3A_115 = arith.cmpi slt, %add3A_113, %lt3A_114 : i32
      %convert_element_type3A_116 = arith.extui %lt3A_115 : i1 to i32
      %cond3A_117 = arith.constant 0 : i32
      %cond3A_118 = arith.cmpi ne, %convert_element_type3A_116, %cond3A_117 : i32
      scf.if %cond3A_118 {
        %dma_start3A_176 = arith.constant 0 : i32
        %dma_start3A_177 = tpu.memref_slice %arg7[%add3A_113, %dma_start3A_176] : memref<125x80xi32, #tpu.memory_space<vmem>> -> memref<1x80xi32, #tpu.memory_space<vmem>>
        %dma_start3A_178 = tpu.memref_squeeze %dma_start3A_177 : memref<1x80xi32, #tpu.memory_space<vmem>> -> memref<80xi32, #tpu.memory_space<vmem>>
        %dma_start3A_179 = arith.constant 0 : i32
        %dma_start3A_180 = arith.constant 0 : i32
        %dma_start3A_181 = tpu.memref_slice %arg2[%dma_start3A_179, %dma_start3A_180] : memref<10000x128xbf16, #tpu.memory_space<hbm>> -> memref<10000x128xbf16, #tpu.memory_space<hbm>>
        tpu.enqueue_indirect_dma source(%dma_start3A_181 : memref<10000x128xbf16, #tpu.memory_space<hbm>>) target(%arg10 : memref<80x128xbf16, #tpu.memory_space<vmem>>) offsets(%dma_start3A_178 : memref<80xi32, #tpu.memory_space<vmem>>) semaphore(%arg19 : memref<!tpu.dma_semaphore, #tpu.memory_space<semaphore_mem>>)
      } else {
      }
      %add3A_119 = arith.constant 2 : i32
      %add3A_120 = arith.addi %mul3A_81, %add3A_119 : i32
      %dma_wait3A_121 = arith.constant 0 : i32
      %dma_wait3A_122 = tpu.memref_slice %arg7[%add3A_120, %dma_wait3A_121] : memref<125x80xi32, #tpu.memory_space<vmem>> -> memref<1x80xi32, #tpu.memory_space<vmem>>
      %dma_wait3A_123 = tpu.memref_squeeze %dma_wait3A_122 : memref<1x80xi32, #tpu.memory_space<vmem>> -> memref<80xi32, #tpu.memory_space<vmem>>
      %dma_wait3A_124 = arith.constant 0 : i32
      %dma_wait3A_125 = arith.constant 0 : i32
      %dma_wait3A_126 = tpu.memref_slice %arg2[%dma_wait3A_124, %dma_wait3A_125] : memref<10000x128xbf16, #tpu.memory_space<hbm>> -> memref<10000x128xbf16, #tpu.memory_space<hbm>>
      tpu.wait_indirect_dma semaphore(%arg20 : memref<!tpu.dma_semaphore, #tpu.memory_space<semaphore_mem>>) src(%dma_wait3A_126 : memref<10000x128xbf16, #tpu.memory_space<hbm>>) dst(%arg11 : memref<80x128xbf16, #tpu.memory_space<vmem>>)
      %add3A_127 = arith.constant 2 : i32
      %add3A_128 = arith.addi %mul3A_81, %add3A_127 : i32
      "tpu.region"() ({
        %run_scoped3A = tpu.sem_alloc : memref<!tpu.dma_semaphore, #tpu.memory_space<semaphore_mem>>
        %dma_start3A_176 = arith.constant 0 : i32
        %dma_start3A_177 = tpu.memref_slice %arg8[%add3A_128, %dma_start3A_176] : memref<125x80xi32, #tpu.memory_space<vmem>> -> memref<1x80xi32, #tpu.memory_space<vmem>>
        %dma_start3A_178 = tpu.memref_squeeze %dma_start3A_177 : memref<1x80xi32, #tpu.memory_space<vmem>> -> memref<80xi32, #tpu.memory_space<vmem>>
        %dma_start3A_179 = arith.constant 0 : i32
        %dma_start3A_180 = arith.constant 0 : i32
        %dma_start3A_181 = tpu.memref_slice %arg16[%dma_start3A_179, %dma_start3A_180] : memref<10000x128xbf16, #tpu.memory_space<vmem_shared>> -> memref<10000x128xbf16, #tpu.memory_space<vmem_shared>>
        tpu.enqueue_indirect_dma source(%arg11 : memref<80x128xbf16, #tpu.memory_space<vmem>>) target(%dma_start3A_181 : memref<10000x128xbf16, #tpu.memory_space<vmem_shared>>) offsets(%dma_start3A_178 : memref<80xi32, #tpu.memory_space<vmem>>) semaphore(%run_scoped3A : memref<!tpu.dma_semaphore, #tpu.memory_space<semaphore_mem>>) {add = true}
        %dma_wait3A_182 = arith.constant 0 : i32
        %dma_wait3A_183 = tpu.memref_slice %arg8[%add3A_128, %dma_wait3A_182] : memref<125x80xi32, #tpu.memory_space<vmem>> -> memref<1x80xi32, #tpu.memory_space<vmem>>
        %dma_wait3A_184 = tpu.memref_squeeze %dma_wait3A_183 : memref<1x80xi32, #tpu.memory_space<vmem>> -> memref<80xi32, #tpu.memory_space<vmem>>
        %dma_wait3A_185 = arith.constant 0 : i32
        %dma_wait3A_186 = arith.constant 0 : i32
        %dma_wait3A_187 = tpu.memref_slice %arg16[%dma_wait3A_185, %dma_wait3A_186] : memref<10000x128xbf16, #tpu.memory_space<vmem_shared>> -> memref<10000x128xbf16, #tpu.memory_space<vmem_shared>>
        tpu.wait_indirect_dma semaphore(%run_scoped3A : memref<!tpu.dma_semaphore, #tpu.memory_space<semaphore_mem>>) src(%arg11 : memref<80x128xbf16, #tpu.memory_space<vmem>>) dst(%dma_wait3A_187 : memref<10000x128xbf16, #tpu.memory_space<vmem_shared>>)
        tpu.yield
      }) : () -> ()
      "tpu.region"() ({
        %run_scoped3A = tpu.sem_alloc : memref<!tpu.dma_semaphore, #tpu.memory_space<semaphore_mem>>
        %dma_start3A_176 = arith.constant 0 : i32
        %dma_start3A_177 = tpu.memref_slice %arg8[%add3A_128, %dma_start3A_176] : memref<125x80xi32, #tpu.memory_space<vmem>> -> memref<1x80xi32, #tpu.memory_space<vmem>>
        %dma_start3A_178 = tpu.memref_squeeze %dma_start3A_177 : memref<1x80xi32, #tpu.memory_space<vmem>> -> memref<80xi32, #tpu.memory_space<vmem>>
        %dma_start3A_179 = arith.constant 0 : i32
        %dma_start3A_180 = tpu.memref_slice %arg17[%dma_start3A_179] : memref<10000xf32, #tpu.memory_space<vmem_shared>> -> memref<10000xf32, #tpu.memory_space<vmem_shared>>
        tpu.enqueue_indirect_dma source(%arg15 : memref<80xf32, #tpu.memory_space<vmem>>) target(%dma_start3A_180 : memref<10000xf32, #tpu.memory_space<vmem_shared>>) offsets(%dma_start3A_178 : memref<80xi32, #tpu.memory_space<vmem>>) semaphore(%run_scoped3A : memref<!tpu.dma_semaphore, #tpu.memory_space<semaphore_mem>>) {add = true}
        %dma_wait3A_181 = arith.constant 0 : i32
        %dma_wait3A_182 = tpu.memref_slice %arg8[%add3A_128, %dma_wait3A_181] : memref<125x80xi32, #tpu.memory_space<vmem>> -> memref<1x80xi32, #tpu.memory_space<vmem>>
        %dma_wait3A_183 = tpu.memref_squeeze %dma_wait3A_182 : memref<1x80xi32, #tpu.memory_space<vmem>> -> memref<80xi32, #tpu.memory_space<vmem>>
        %dma_wait3A_184 = arith.constant 0 : i32
        %dma_wait3A_185 = tpu.memref_slice %arg17[%dma_wait3A_184] : memref<10000xf32, #tpu.memory_space<vmem_shared>> -> memref<10000xf32, #tpu.memory_space<vmem_shared>>
        tpu.wait_indirect_dma semaphore(%run_scoped3A : memref<!tpu.dma_semaphore, #tpu.memory_space<semaphore_mem>>) src(%arg15 : memref<80xf32, #tpu.memory_space<vmem>>) dst(%dma_wait3A_185 : memref<10000xf32, #tpu.memory_space<vmem_shared>>)
        tpu.yield
      }) : () -> ()
      %add3A_129 = arith.constant 5 : i32
      %add3A_130 = arith.addi %mul3A_81, %add3A_129 : i32
      %add3A_131 = arith.constant 2 : i32
      %add3A_132 = arith.addi %add3A_130, %add3A_131 : i32
      %lt3A_133 = arith.constant 125 : i32
      %lt3A_134 = arith.cmpi slt, %add3A_132, %lt3A_133 : i32
      %convert_element_type3A_135 = arith.extui %lt3A_134 : i1 to i32
      %cond3A_136 = arith.constant 0 : i32
      %cond3A_137 = arith.cmpi ne, %convert_element_type3A_135, %cond3A_136 : i32
      scf.if %cond3A_137 {
        %dma_start3A_176 = arith.constant 0 : i32
        %dma_start3A_177 = tpu.memref_slice %arg7[%add3A_132, %dma_start3A_176] : memref<125x80xi32, #tpu.memory_space<vmem>> -> memref<1x80xi32, #tpu.memory_space<vmem>>
        %dma_start3A_178 = tpu.memref_squeeze %dma_start3A_177 : memref<1x80xi32, #tpu.memory_space<vmem>> -> memref<80xi32, #tpu.memory_space<vmem>>
        %dma_start3A_179 = arith.constant 0 : i32
        %dma_start3A_180 = arith.constant 0 : i32
        %dma_start3A_181 = tpu.memref_slice %arg2[%dma_start3A_179, %dma_start3A_180] : memref<10000x128xbf16, #tpu.memory_space<hbm>> -> memref<10000x128xbf16, #tpu.memory_space<hbm>>
        tpu.enqueue_indirect_dma source(%dma_start3A_181 : memref<10000x128xbf16, #tpu.memory_space<hbm>>) target(%arg11 : memref<80x128xbf16, #tpu.memory_space<vmem>>) offsets(%dma_start3A_178 : memref<80xi32, #tpu.memory_space<vmem>>) semaphore(%arg20 : memref<!tpu.dma_semaphore, #tpu.memory_space<semaphore_mem>>)
      } else {
      }
      %add3A_138 = arith.constant 3 : i32
      %add3A_139 = arith.addi %mul3A_81, %add3A_138 : i32
      %dma_wait3A_140 = arith.constant 0 : i32
      %dma_wait3A_141 = tpu.memref_slice %arg7[%add3A_139, %dma_wait3A_140] : memref<125x80xi32, #tpu.memory_space<vmem>> -> memref<1x80xi32, #tpu.memory_space<vmem>>
      %dma_wait3A_142 = tpu.memref_squeeze %dma_wait3A_141 : memref<1x80xi32, #tpu.memory_space<vmem>> -> memref<80xi32, #tpu.memory_space<vmem>>
      %dma_wait3A_143 = arith.constant 0 : i32
      %dma_wait3A_144 = arith.constant 0 : i32
      %dma_wait3A_145 = tpu.memref_slice %arg2[%dma_wait3A_143, %dma_wait3A_144] : memref<10000x128xbf16, #tpu.memory_space<hbm>> -> memref<10000x128xbf16, #tpu.memory_space<hbm>>
      tpu.wait_indirect_dma semaphore(%arg21 : memref<!tpu.dma_semaphore, #tpu.memory_space<semaphore_mem>>) src(%dma_wait3A_145 : memref<10000x128xbf16, #tpu.memory_space<hbm>>) dst(%arg12 : memref<80x128xbf16, #tpu.memory_space<vmem>>)
      %add3A_146 = arith.constant 3 : i32
      %add3A_147 = arith.addi %mul3A_81, %add3A_146 : i32
      "tpu.region"() ({
        %run_scoped3A = tpu.sem_alloc : memref<!tpu.dma_semaphore, #tpu.memory_space<semaphore_mem>>
        %dma_start3A_176 = arith.constant 0 : i32
        %dma_start3A_177 = tpu.memref_slice %arg8[%add3A_147, %dma_start3A_176] : memref<125x80xi32, #tpu.memory_space<vmem>> -> memref<1x80xi32, #tpu.memory_space<vmem>>
        %dma_start3A_178 = tpu.memref_squeeze %dma_start3A_177 : memref<1x80xi32, #tpu.memory_space<vmem>> -> memref<80xi32, #tpu.memory_space<vmem>>
        %dma_start3A_179 = arith.constant 0 : i32
        %dma_start3A_180 = arith.constant 0 : i32
        %dma_start3A_181 = tpu.memref_slice %arg16[%dma_start3A_179, %dma_start3A_180] : memref<10000x128xbf16, #tpu.memory_space<vmem_shared>> -> memref<10000x128xbf16, #tpu.memory_space<vmem_shared>>
        tpu.enqueue_indirect_dma source(%arg12 : memref<80x128xbf16, #tpu.memory_space<vmem>>) target(%dma_start3A_181 : memref<10000x128xbf16, #tpu.memory_space<vmem_shared>>) offsets(%dma_start3A_178 : memref<80xi32, #tpu.memory_space<vmem>>) semaphore(%run_scoped3A : memref<!tpu.dma_semaphore, #tpu.memory_space<semaphore_mem>>) {add = true}
        %dma_wait3A_182 = arith.constant 0 : i32
        %dma_wait3A_183 = tpu.memref_slice %arg8[%add3A_147, %dma_wait3A_182] : memref<125x80xi32, #tpu.memory_space<vmem>> -> memref<1x80xi32, #tpu.memory_space<vmem>>
        %dma_wait3A_184 = tpu.memref_squeeze %dma_wait3A_183 : memref<1x80xi32, #tpu.memory_space<vmem>> -> memref<80xi32, #tpu.memory_space<vmem>>
        %dma_wait3A_185 = arith.constant 0 : i32
        %dma_wait3A_186 = arith.constant 0 : i32
        %dma_wait3A_187 = tpu.memref_slice %arg16[%dma_wait3A_185, %dma_wait3A_186] : memref<10000x128xbf16, #tpu.memory_space<vmem_shared>> -> memref<10000x128xbf16, #tpu.memory_space<vmem_shared>>
        tpu.wait_indirect_dma semaphore(%run_scoped3A : memref<!tpu.dma_semaphore, #tpu.memory_space<semaphore_mem>>) src(%arg12 : memref<80x128xbf16, #tpu.memory_space<vmem>>) dst(%dma_wait3A_187 : memref<10000x128xbf16, #tpu.memory_space<vmem_shared>>)
        tpu.yield
      }) : () -> ()
      "tpu.region"() ({
        %run_scoped3A = tpu.sem_alloc : memref<!tpu.dma_semaphore, #tpu.memory_space<semaphore_mem>>
        %dma_start3A_176 = arith.constant 0 : i32
        %dma_start3A_177 = tpu.memref_slice %arg8[%add3A_147, %dma_start3A_176] : memref<125x80xi32, #tpu.memory_space<vmem>> -> memref<1x80xi32, #tpu.memory_space<vmem>>
        %dma_start3A_178 = tpu.memref_squeeze %dma_start3A_177 : memref<1x80xi32, #tpu.memory_space<vmem>> -> memref<80xi32, #tpu.memory_space<vmem>>
        %dma_start3A_179 = arith.constant 0 : i32
        %dma_start3A_180 = tpu.memref_slice %arg17[%dma_start3A_179] : memref<10000xf32, #tpu.memory_space<vmem_shared>> -> memref<10000xf32, #tpu.memory_space<vmem_shared>>
        tpu.enqueue_indirect_dma source(%arg15 : memref<80xf32, #tpu.memory_space<vmem>>) target(%dma_start3A_180 : memref<10000xf32, #tpu.memory_space<vmem_shared>>) offsets(%dma_start3A_178 : memref<80xi32, #tpu.memory_space<vmem>>) semaphore(%run_scoped3A : memref<!tpu.dma_semaphore, #tpu.memory_space<semaphore_mem>>) {add = true}
        %dma_wait3A_181 = arith.constant 0 : i32
        %dma_wait3A_182 = tpu.memref_slice %arg8[%add3A_147, %dma_wait3A_181] : memref<125x80xi32, #tpu.memory_space<vmem>> -> memref<1x80xi32, #tpu.memory_space<vmem>>
        %dma_wait3A_183 = tpu.memref_squeeze %dma_wait3A_182 : memref<1x80xi32, #tpu.memory_space<vmem>> -> memref<80xi32, #tpu.memory_space<vmem>>
        %dma_wait3A_184 = arith.constant 0 : i32
        %dma_wait3A_185 = tpu.memref_slice %arg17[%dma_wait3A_184] : memref<10000xf32, #tpu.memory_space<vmem_shared>> -> memref<10000xf32, #tpu.memory_space<vmem_shared>>
        tpu.wait_indirect_dma semaphore(%run_scoped3A : memref<!tpu.dma_semaphore, #tpu.memory_space<semaphore_mem>>) src(%arg15 : memref<80xf32, #tpu.memory_space<vmem>>) dst(%dma_wait3A_185 : memref<10000xf32, #tpu.memory_space<vmem_shared>>)
        tpu.yield
      }) : () -> ()
      %add3A_148 = arith.constant 5 : i32
      %add3A_149 = arith.addi %mul3A_81, %add3A_148 : i32
      %add3A_150 = arith.constant 3 : i32
      %add3A_151 = arith.addi %add3A_149, %add3A_150 : i32
      %lt3A_152 = arith.constant 125 : i32
      %lt3A_153 = arith.cmpi slt, %add3A_151, %lt3A_152 : i32
      %convert_element_type3A_154 = arith.extui %lt3A_153 : i1 to i32
      %cond3A_155 = arith.constant 0 : i32
      %cond3A_156 = arith.cmpi ne, %convert_element_type3A_154, %cond3A_155 : i32
      scf.if %cond3A_156 {
        %dma_start3A_176 = arith.constant 0 : i32
        %dma_start3A_177 = tpu.memref_slice %arg7[%add3A_151, %dma_start3A_176] : memref<125x80xi32, #tpu.memory_space<vmem>> -> memref<1x80xi32, #tpu.memory_space<vmem>>
        %dma_start3A_178 = tpu.memref_squeeze %dma_start3A_177 : memref<1x80xi32, #tpu.memory_space<vmem>> -> memref<80xi32, #tpu.memory_space<vmem>>
        %dma_start3A_179 = arith.constant 0 : i32
        %dma_start3A_180 = arith.constant 0 : i32
        %dma_start3A_181 = tpu.memref_slice %arg2[%dma_start3A_179, %dma_start3A_180] : memref<10000x128xbf16, #tpu.memory_space<hbm>> -> memref<10000x128xbf16, #tpu.memory_space<hbm>>
        tpu.enqueue_indirect_dma source(%dma_start3A_181 : memref<10000x128xbf16, #tpu.memory_space<hbm>>) target(%arg12 : memref<80x128xbf16, #tpu.memory_space<vmem>>) offsets(%dma_start3A_178 : memref<80xi32, #tpu.memory_space<vmem>>) semaphore(%arg21 : memref<!tpu.dma_semaphore, #tpu.memory_space<semaphore_mem>>)
      } else {
      }
      %add3A_157 = arith.constant 4 : i32
      %add3A_158 = arith.addi %mul3A_81, %add3A_157 : i32
      %dma_wait3A_159 = arith.constant 0 : i32
      %dma_wait3A_160 = tpu.memref_slice %arg7[%add3A_158, %dma_wait3A_159] : memref<125x80xi32, #tpu.memory_space<vmem>> -> memref<1x80xi32, #tpu.memory_space<vmem>>
      %dma_wait3A_161 = tpu.memref_squeeze %dma_wait3A_160 : memref<1x80xi32, #tpu.memory_space<vmem>> -> memref<80xi32, #tpu.memory_space<vmem>>
      %dma_wait3A_162 = arith.constant 0 : i32
      %dma_wait3A_163 = arith.constant 0 : i32
      %dma_wait3A_164 = tpu.memref_slice %arg2[%dma_wait3A_162, %dma_wait3A_163] : memref<10000x128xbf16, #tpu.memory_space<hbm>> -> memref<10000x128xbf16, #tpu.memory_space<hbm>>
      tpu.wait_indirect_dma semaphore(%arg22 : memref<!tpu.dma_semaphore, #tpu.memory_space<semaphore_mem>>) src(%dma_wait3A_164 : memref<10000x128xbf16, #tpu.memory_space<hbm>>) dst(%arg13 : memref<80x128xbf16, #tpu.memory_space<vmem>>)
      %add3A_165 = arith.constant 4 : i32
      %add3A_166 = arith.addi %mul3A_81, %add3A_165 : i32
      "tpu.region"() ({
        %run_scoped3A = tpu.sem_alloc : memref<!tpu.dma_semaphore, #tpu.memory_space<semaphore_mem>>
        %dma_start3A_176 = arith.constant 0 : i32
        %dma_start3A_177 = tpu.memref_slice %arg8[%add3A_166, %dma_start3A_176] : memref<125x80xi32, #tpu.memory_space<vmem>> -> memref<1x80xi32, #tpu.memory_space<vmem>>
        %dma_start3A_178 = tpu.memref_squeeze %dma_start3A_177 : memref<1x80xi32, #tpu.memory_space<vmem>> -> memref<80xi32, #tpu.memory_space<vmem>>
        %dma_start3A_179 = arith.constant 0 : i32
        %dma_start3A_180 = arith.constant 0 : i32
        %dma_start3A_181 = tpu.memref_slice %arg16[%dma_start3A_179, %dma_start3A_180] : memref<10000x128xbf16, #tpu.memory_space<vmem_shared>> -> memref<10000x128xbf16, #tpu.memory_space<vmem_shared>>
        tpu.enqueue_indirect_dma source(%arg13 : memref<80x128xbf16, #tpu.memory_space<vmem>>) target(%dma_start3A_181 : memref<10000x128xbf16, #tpu.memory_space<vmem_shared>>) offsets(%dma_start3A_178 : memref<80xi32, #tpu.memory_space<vmem>>) semaphore(%run_scoped3A : memref<!tpu.dma_semaphore, #tpu.memory_space<semaphore_mem>>) {add = true}
        %dma_wait3A_182 = arith.constant 0 : i32
        %dma_wait3A_183 = tpu.memref_slice %arg8[%add3A_166, %dma_wait3A_182] : memref<125x80xi32, #tpu.memory_space<vmem>> -> memref<1x80xi32, #tpu.memory_space<vmem>>
        %dma_wait3A_184 = tpu.memref_squeeze %dma_wait3A_183 : memref<1x80xi32, #tpu.memory_space<vmem>> -> memref<80xi32, #tpu.memory_space<vmem>>
        %dma_wait3A_185 = arith.constant 0 : i32
        %dma_wait3A_186 = arith.constant 0 : i32
        %dma_wait3A_187 = tpu.memref_slice %arg16[%dma_wait3A_185, %dma_wait3A_186] : memref<10000x128xbf16, #tpu.memory_space<vmem_shared>> -> memref<10000x128xbf16, #tpu.memory_space<vmem_shared>>
        tpu.wait_indirect_dma semaphore(%run_scoped3A : memref<!tpu.dma_semaphore, #tpu.memory_space<semaphore_mem>>) src(%arg13 : memref<80x128xbf16, #tpu.memory_space<vmem>>) dst(%dma_wait3A_187 : memref<10000x128xbf16, #tpu.memory_space<vmem_shared>>)
        tpu.yield
      }) : () -> ()
      "tpu.region"() ({
        %run_scoped3A = tpu.sem_alloc : memref<!tpu.dma_semaphore, #tpu.memory_space<semaphore_mem>>
        %dma_start3A_176 = arith.constant 0 : i32
        %dma_start3A_177 = tpu.memref_slice %arg8[%add3A_166, %dma_start3A_176] : memref<125x80xi32, #tpu.memory_space<vmem>> -> memref<1x80xi32, #tpu.memory_space<vmem>>
        %dma_start3A_178 = tpu.memref_squeeze %dma_start3A_177 : memref<1x80xi32, #tpu.memory_space<vmem>> -> memref<80xi32, #tpu.memory_space<vmem>>
        %dma_start3A_179 = arith.constant 0 : i32
        %dma_start3A_180 = tpu.memref_slice %arg17[%dma_start3A_179] : memref<10000xf32, #tpu.memory_space<vmem_shared>> -> memref<10000xf32, #tpu.memory_space<vmem_shared>>
        tpu.enqueue_indirect_dma source(%arg15 : memref<80xf32, #tpu.memory_space<vmem>>) target(%dma_start3A_180 : memref<10000xf32, #tpu.memory_space<vmem_shared>>) offsets(%dma_start3A_178 : memref<80xi32, #tpu.memory_space<vmem>>) semaphore(%run_scoped3A : memref<!tpu.dma_semaphore, #tpu.memory_space<semaphore_mem>>) {add = true}
        %dma_wait3A_181 = arith.constant 0 : i32
        %dma_wait3A_182 = tpu.memref_slice %arg8[%add3A_166, %dma_wait3A_181] : memref<125x80xi32, #tpu.memory_space<vmem>> -> memref<1x80xi32, #tpu.memory_space<vmem>>
        %dma_wait3A_183 = tpu.memref_squeeze %dma_wait3A_182 : memref<1x80xi32, #tpu.memory_space<vmem>> -> memref<80xi32, #tpu.memory_space<vmem>>
        %dma_wait3A_184 = arith.constant 0 : i32
        %dma_wait3A_185 = tpu.memref_slice %arg17[%dma_wait3A_184] : memref<10000xf32, #tpu.memory_space<vmem_shared>> -> memref<10000xf32, #tpu.memory_space<vmem_shared>>
        tpu.wait_indirect_dma semaphore(%run_scoped3A : memref<!tpu.dma_semaphore, #tpu.memory_space<semaphore_mem>>) src(%arg15 : memref<80xf32, #tpu.memory_space<vmem>>) dst(%dma_wait3A_185 : memref<10000xf32, #tpu.memory_space<vmem_shared>>)
        tpu.yield
      }) : () -> ()
      %add3A_167 = arith.constant 5 : i32
      %add3A_168 = arith.addi %mul3A_81, %add3A_167 : i32
      %add3A_169 = arith.constant 4 : i32
      %add3A_170 = arith.addi %add3A_168, %add3A_169 : i32
      %lt3A_171 = arith.constant 125 : i32
      %lt3A_172 = arith.cmpi slt, %add3A_170, %lt3A_171 : i32
      %convert_element_type3A_173 = arith.extui %lt3A_172 : i1 to i32
      %cond3A_174 = arith.constant 0 : i32
      %cond3A_175 = arith.cmpi ne, %convert_element_type3A_173, %cond3A_174 : i32
      scf.if %cond3A_175 {
        %dma_start3A_176 = arith.constant 0 : i32
        %dma_start3A_177 = tpu.memref_slice %arg7[%add3A_170, %dma_start3A_176] : memref<125x80xi32, #tpu.memory_space<vmem>> -> memref<1x80xi32, #tpu.memory_space<vmem>>
        %dma_start3A_178 = tpu.memref_squeeze %dma_start3A_177 : memref<1x80xi32, #tpu.memory_space<vmem>> -> memref<80xi32, #tpu.memory_space<vmem>>
        %dma_start3A_179 = arith.constant 0 : i32
        %dma_start3A_180 = arith.constant 0 : i32
        %dma_start3A_181 = tpu.memref_slice %arg2[%dma_start3A_179, %dma_start3A_180] : memref<10000x128xbf16, #tpu.memory_space<hbm>> -> memref<10000x128xbf16, #tpu.memory_space<hbm>>
        tpu.enqueue_indirect_dma source(%dma_start3A_181 : memref<10000x128xbf16, #tpu.memory_space<hbm>>) target(%arg13 : memref<80x128xbf16, #tpu.memory_space<vmem>>) offsets(%dma_start3A_178 : memref<80xi32, #tpu.memory_space<vmem>>) semaphore(%arg22 : memref<!tpu.dma_semaphore, #tpu.memory_space<semaphore_mem>>)
      } else {
      }
    }
    %scan3A_68 = arith.constant 25 : i32
    %barrier3A_69 = arith.constant 0 : index
    tpu.barrier barrier_id(%barrier3A_69)
    %mul3A_70 = arith.constant 625 : i32
    %mul3A_71 = arith.muli %arg1, %mul3A_70 : i32
    %mul3A_72 = arith.constant 625 : i32
    %mul3A_73 = arith.muli %arg1, %mul3A_72 : i32
    "tpu.region"() ({
      %run_scoped3A = tpu.sem_alloc : memref<!tpu.dma_semaphore, #tpu.memory_space<semaphore_mem>>
      %dma_start3A_79 = arith.constant 0 : i32
      %dma_start3A_80 = tpu.memref_slice %arg5[%arg0, %mul3A_73, %dma_start3A_79] : memref<2x10000x128xbf16, #tpu.memory_space<hbm>> -> memref<1x625x128xbf16, #tpu.memory_space<hbm>>
      %dma_start3A_81 = tpu.memref_squeeze %dma_start3A_80 : memref<1x625x128xbf16, #tpu.memory_space<hbm>> -> memref<625x128xbf16, #tpu.memory_space<hbm>>
      %dma_start3A_82 = arith.constant 0 : i32
      %dma_start3A_83 = tpu.memref_slice %arg16[%mul3A_71, %dma_start3A_82] : memref<10000x128xbf16, #tpu.memory_space<vmem_shared>> -> memref<625x128xbf16, #tpu.memory_space<vmem_shared>>
      tpu.enqueue_dma source(%dma_start3A_83 : memref<625x128xbf16, #tpu.memory_space<vmem_shared>>) target(%dma_start3A_81 : memref<625x128xbf16, #tpu.memory_space<hbm>>) target_semaphore(%run_scoped3A : memref<!tpu.dma_semaphore, #tpu.memory_space<semaphore_mem>>)
      %dma_wait3A = arith.constant 0 : i32
      %dma_wait3A_84 = tpu.memref_slice %arg5[%arg0, %mul3A_73, %dma_wait3A] : memref<2x10000x128xbf16, #tpu.memory_space<hbm>> -> memref<1x625x128xbf16, #tpu.memory_space<hbm>>
      %dma_wait3A_85 = tpu.memref_squeeze %dma_wait3A_84 : memref<1x625x128xbf16, #tpu.memory_space<hbm>> -> memref<625x128xbf16, #tpu.memory_space<hbm>>
      %dma_wait3A_86 = arith.constant 0 : i32
      %dma_wait3A_87 = tpu.memref_slice %arg16[%mul3A_71, %dma_wait3A_86] : memref<10000x128xbf16, #tpu.memory_space<vmem_shared>> -> memref<625x128xbf16, #tpu.memory_space<vmem_shared>>
      tpu.wait_dma2 semaphore(%run_scoped3A : memref<!tpu.dma_semaphore, #tpu.memory_space<semaphore_mem>>) src(%dma_wait3A_87 : memref<625x128xbf16, #tpu.memory_space<vmem_shared>>) dst(%dma_wait3A_85 : memref<625x128xbf16, #tpu.memory_space<hbm>>)
      tpu.yield
    }) : () -> ()
    %lt3A_74 = arith.constant 10 : i32
    %lt3A_75 = arith.cmpi slt, %arg1, %lt3A_74 : i32
    %convert_element_type3A_76 = arith.extui %lt3A_75 : i1 to i32
    %cond3A_77 = arith.constant 0 : i32
    %cond3A_78 = arith.cmpi ne, %convert_element_type3A_76, %cond3A_77 : i32
    scf.if %cond3A_78 {
      %mul3A_79 = arith.constant 1000 : i32
      %mul3A_80 = arith.muli %arg1, %mul3A_79 : i32
      %mul3A_81 = arith.constant 1000 : i32
      %mul3A_82 = arith.muli %arg1, %mul3A_81 : i32
      "tpu.region"() ({
        %run_scoped3A = tpu.sem_alloc : memref<!tpu.dma_semaphore, #tpu.memory_space<semaphore_mem>>
        %dma_start3A_83 = tpu.memref_slice %arg6[%arg0, %mul3A_82] : memref<2x10000xf32, #tpu.memory_space<hbm>> -> memref<1x1000xf32, #tpu.memory_space<hbm>>
        %dma_start3A_84 = tpu.memref_squeeze %dma_start3A_83 : memref<1x1000xf32, #tpu.memory_space<hbm>> -> memref<1000xf32, #tpu.memory_space<hbm>>
        %dma_start3A_85 = tpu.memref_slice %arg17[%mul3A_80] : memref<10000xf32, #tpu.memory_space<vmem_shared>> -> memref<1000xf32, #tpu.memory_space<vmem_shared>>
        tpu.enqueue_dma source(%dma_start3A_85 : memref<1000xf32, #tpu.memory_space<vmem_shared>>) target(%dma_start3A_84 : memref<1000xf32, #tpu.memory_space<hbm>>) target_semaphore(%run_scoped3A : memref<!tpu.dma_semaphore, #tpu.memory_space<semaphore_mem>>)
        %dma_wait3A = tpu.memref_slice %arg6[%arg0, %mul3A_82] : memref<2x10000xf32, #tpu.memory_space<hbm>> -> memref<1x1000xf32, #tpu.memory_space<hbm>>
        %dma_wait3A_86 = tpu.memref_squeeze %dma_wait3A : memref<1x1000xf32, #tpu.memory_space<hbm>> -> memref<1000xf32, #tpu.memory_space<hbm>>
        %dma_wait3A_87 = tpu.memref_slice %arg17[%mul3A_80] : memref<10000xf32, #tpu.memory_space<vmem_shared>> -> memref<1000xf32, #tpu.memory_space<vmem_shared>>
        tpu.wait_dma2 semaphore(%run_scoped3A : memref<!tpu.dma_semaphore, #tpu.memory_space<semaphore_mem>>) src(%dma_wait3A_87 : memref<1000xf32, #tpu.memory_space<vmem_shared>>) dst(%dma_wait3A_86 : memref<1000xf32, #tpu.memory_space<hbm>>)
        tpu.yield
      }) : () -> ()
    } else {
    }
    return
  }
}

module attributes {stable_mosaic.version = 14 : i64} {
  func.func @_tc_combine_kernel(%arg0: i32, %arg1: memref<2x1000x128xbf16, #tpu.memory_space<vmem>>, %arg2: memref<2x1000x1xf32, #tpu.memory_space<vmem>>, %arg3: memref<1000x128xf32, #tpu.memory_space<vmem>>, %arg4: memref<128x128xf32, #tpu.memory_space<vmem>>, %arg5: memref<128x128xf32, #tpu.memory_space<vmem>>, %arg6: memref<1000x128xf32, #tpu.memory_space<vmem>>) attributes {dimension_semantics = [#tpu.dimension_semantics<arbitrary>], iteration_bounds = array<i64: 10>, scalar_prefetch = 0 : i64, scratch_operands = 0 : i64, tpu.core_type = #tpu.core_type<tc>, window_params = [{transform_indices = @transform_0, window_bounds = array<i64: 2, 1000, 128>}, {transform_indices = @transform_1, window_bounds = array<i64: 2, 1000, 1>}, {transform_indices = @transform_2, window_bounds = array<i64: 1000, 128>}, {pipeline_mode = #tpu.pipeline_mode<synchronous>, transform_indices = @transform_3, window_bounds = array<i64: 128, 128>}, {pipeline_mode = #tpu.pipeline_mode<synchronous>, transform_indices = @transform_4, window_bounds = array<i64: 128, 128>}, {transform_indices = @transform_5, window_bounds = array<i64: 1000, 128>}]} {
    %get3A = arith.constant 0 : index
    %get3A_0 = arith.constant 0 : index
    %get3A_1 = arith.constant 0 : index
    %get3A_2 = vector.load %arg1[%get3A, %get3A_0, %get3A_1] : memref<2x1000x128xbf16, #tpu.memory_space<vmem>>, vector<1x1000x128xbf16>
    %get3A_3 = vector.shape_cast %get3A_2 : vector<1x1000x128xbf16> to vector<1000x128xbf16>
    %convert_element_type3A = arith.extf %get3A_3 : vector<1000x128xbf16> to vector<1000x128xf32>
    %get3A_4 = arith.constant 1 : index
    %get3A_5 = arith.constant 0 : index
    %get3A_6 = arith.constant 0 : index
    %get3A_7 = vector.load %arg1[%get3A_4, %get3A_5, %get3A_6] : memref<2x1000x128xbf16, #tpu.memory_space<vmem>>, vector<1x1000x128xbf16>
    %get3A_8 = vector.shape_cast %get3A_7 : vector<1x1000x128xbf16> to vector<1000x128xbf16>
    %convert_element_type3A_9 = arith.extf %get3A_8 : vector<1000x128xbf16> to vector<1000x128xf32>
    %add3A = arith.addf %convert_element_type3A, %convert_element_type3A_9 : vector<1000x128xf32>
    %get3A_10 = arith.constant 0 : index
    %get3A_11 = arith.constant 0 : index
    %get3A_12 = arith.constant 0 : index
    %get3A_13 = vector.load %arg2[%get3A_10, %get3A_11, %get3A_12] : memref<2x1000x1xf32, #tpu.memory_space<vmem>>, vector<1x1000x1xf32>
    %get3A_14 = vector.shape_cast %get3A_13 : vector<1x1000x1xf32> to vector<1000x1xf32>
    %get3A_15 = arith.constant 1 : index
    %get3A_16 = arith.constant 0 : index
    %get3A_17 = arith.constant 0 : index
    %get3A_18 = vector.load %arg2[%get3A_15, %get3A_16, %get3A_17] : memref<2x1000x1xf32, #tpu.memory_space<vmem>>, vector<1x1000x1xf32>
    %get3A_19 = vector.shape_cast %get3A_18 : vector<1x1000x1xf32> to vector<1000x1xf32>
    %add3A_20 = arith.addf %get3A_14, %get3A_19 : vector<1000x1xf32>
    %gt3A = arith.constant 0.000000e+00 : f32
    %gt3A_21 = vector.broadcast %gt3A : f32 to vector<1000x1xf32>
    %gt3A_22 = arith.cmpf ogt, %add3A_20, %gt3A_21 : vector<1000x1xf32>
    %max3A = arith.constant 1.000000e+00 : f32
    %max3A_23 = vector.broadcast %max3A : f32 to vector<1000x1xf32>
    %max3A_24 = arith.maximumf %add3A_20, %max3A_23 : vector<1000x1xf32>
    %rsqrt3A = math.rsqrt %max3A_24 : vector<1000x1xf32>
    %jit3A = arith.constant 0.000000e+00 : f32
    %broadcast_in_dim3A = vector.broadcast %jit3A : f32 to vector<1000x1xf32>
    %select_n3A = arith.select %gt3A_22, %rsqrt3A, %broadcast_in_dim3A : vector<1000x1xi1>, vector<1000x1xf32>
    %mul3A = vector.broadcast %select_n3A : vector<1000x1xf32> to vector<1000x128xf32>
    %mul3A_25 = arith.mulf %add3A, %mul3A : vector<1000x128xf32>
    %get3A_26 = arith.constant 0 : index
    %get3A_27 = arith.constant 0 : index
    %get3A_28 = vector.load %arg4[%get3A_26, %get3A_27] : memref<128x128xf32, #tpu.memory_space<vmem>>, vector<128x128xf32>
    %mul3A_29 = arith.mulf %get3A_28, %get3A_28 : vector<128x128xf32>
    %reduce_sum3A = arith.constant dense<0.000000e+00> : vector<128xf32>
    %reduce_sum3A_30 = vector.multi_reduction <add>, %mul3A_29, %reduce_sum3A [1] : vector<128x128xf32> to vector<128xf32>
    %broadcast_in_dim3A_31 = vector.shape_cast %reduce_sum3A_30 : vector<128xf32> to vector<128x1xf32>
    %sqrt3A = math.sqrt %broadcast_in_dim3A_31 : vector<128x1xf32>
    %mul3A_32 = arith.constant 0.0883883461 : f32
    %mul3A_33 = vector.broadcast %mul3A_32 : f32 to vector<128x1xf32>
    %mul3A_34 = arith.mulf %sqrt3A, %mul3A_33 : vector<128x1xf32>
    %add3A_35 = arith.constant 9.99999974E-5 : f32
    %add3A_36 = vector.broadcast %add3A_35 : f32 to vector<128x1xf32>
    %add3A_37 = arith.addf %add3A_36, %mul3A_34 : vector<128x1xf32>
    %div3A = vector.broadcast %add3A_37 : vector<128x1xf32> to vector<128x128xf32>
    %div3A_38 = arith.divf %get3A_28, %div3A : vector<128x128xf32>
    %mul3A_39 = arith.constant 0.0883883461 : f32
    %mul3A_40 = vector.broadcast %mul3A_39 : f32 to vector<128x128xf32>
    %mul3A_41 = arith.mulf %div3A_38, %mul3A_40 : vector<128x128xf32>
    %get3A_42 = arith.constant 0 : index
    %get3A_43 = arith.constant 0 : index
    %get3A_44 = vector.load %arg5[%get3A_42, %get3A_43] : memref<128x128xf32, #tpu.memory_space<vmem>>, vector<128x128xf32>
    %mul3A_45 = arith.mulf %get3A_44, %get3A_44 : vector<128x128xf32>
    %reduce_sum3A_46 = arith.constant dense<0.000000e+00> : vector<128xf32>
    %reduce_sum3A_47 = vector.multi_reduction <add>, %mul3A_45, %reduce_sum3A_46 [1] : vector<128x128xf32> to vector<128xf32>
    %broadcast_in_dim3A_48 = vector.shape_cast %reduce_sum3A_47 : vector<128xf32> to vector<128x1xf32>
    %sqrt3A_49 = math.sqrt %broadcast_in_dim3A_48 : vector<128x1xf32>
    %mul3A_50 = arith.constant 0.0883883461 : f32
    %mul3A_51 = vector.broadcast %mul3A_50 : f32 to vector<128x1xf32>
    %mul3A_52 = arith.mulf %sqrt3A_49, %mul3A_51 : vector<128x1xf32>
    %add3A_53 = arith.constant 9.99999974E-5 : f32
    %add3A_54 = vector.broadcast %add3A_53 : f32 to vector<128x1xf32>
    %add3A_55 = arith.addf %add3A_54, %mul3A_52 : vector<128x1xf32>
    %div3A_56 = vector.broadcast %add3A_55 : vector<128x1xf32> to vector<128x128xf32>
    %div3A_57 = arith.divf %get3A_44, %div3A_56 : vector<128x128xf32>
    %mul3A_58 = arith.constant 0.0883883461 : f32
    %mul3A_59 = vector.broadcast %mul3A_58 : f32 to vector<128x128xf32>
    %mul3A_60 = arith.mulf %div3A_57, %mul3A_59 : vector<128x128xf32>
    %dot_general3A = arith.constant dense<0.000000e+00> : vector<1000x128xf32>
    %dot_general3A_61 = tpu.matmul %mul3A_25, %mul3A_41, %dot_general3A {dimension_numbers = #tpu.dot_dimension_numbers<[1], [1], [0], [0], [0, 0, 1, 0], [], []>, transpose_lhs_hint = false} : vector<1000x128xf32>, vector<128x128xf32>, vector<1000x128xf32> -> vector<1000x128xf32>
    %get3A_62 = arith.constant 0 : index
    %get3A_63 = arith.constant 0 : index
    %get3A_64 = vector.load %arg3[%get3A_62, %get3A_63] : memref<1000x128xf32, #tpu.memory_space<vmem>>, vector<1000x128xf32>
    %dot_general3A_65 = arith.constant dense<0.000000e+00> : vector<1000x128xf32>
    %dot_general3A_66 = tpu.matmul %get3A_64, %mul3A_60, %dot_general3A_65 {dimension_numbers = #tpu.dot_dimension_numbers<[1], [1], [0], [0], [0, 0, 1, 0], [], []>, transpose_lhs_hint = false} : vector<1000x128xf32>, vector<128x128xf32>, vector<1000x128xf32> -> vector<1000x128xf32>
    %gt3A_67 = arith.constant 0.000000e+00 : f32
    %gt3A_68 = vector.broadcast %gt3A_67 : f32 to vector<1000x1xf32>
    %gt3A_69 = arith.cmpf ogt, %add3A_20, %gt3A_68 : vector<1000x1xf32>
    %add3A_70 = arith.addf %dot_general3A_66, %dot_general3A_61 : vector<1000x128xf32>
    %mul3A_71 = arith.constant 0.707106769 : f32
    %mul3A_72 = vector.broadcast %mul3A_71 : f32 to vector<1000x128xf32>
    %mul3A_73 = arith.mulf %add3A_70, %mul3A_72 : vector<1000x128xf32>
    %broadcast_in_dim3A_74 = vector.shape_cast %gt3A_69 : vector<1000x1xi1> to vector<1000x1xi1>
    %broadcast_in_dim3A_75 = vector.broadcast %broadcast_in_dim3A_74 : vector<1000x1xi1> to vector<1000x128xi1>
    %select_n3A_76 = arith.select %broadcast_in_dim3A_75, %mul3A_73, %dot_general3A_66 : vector<1000x128xi1>, vector<1000x128xf32>
    %swap3A = arith.constant 0 : index
    %swap3A_77 = arith.constant 0 : index
    %swap3A_78 = vector.load %arg6[%swap3A, %swap3A_77] : memref<1000x128xf32, #tpu.memory_space<vmem>>, vector<1000x128xf32>
    tpu.vector_store %arg6[%swap3A, %swap3A_77], %select_n3A_76 {strides = array<i32>} : memref<1000x128xf32, #tpu.memory_space<vmem>>, vector<1000x128xf32>,
    return
  }
  func.func @transform_0(%arg0: i32) -> (i32, i32, i32) {
    %c0_i32 = arith.constant 0 : i32
    %c0_i32_0 = arith.constant 0 : i32
    %c0_i32_1 = arith.constant 0 : i32
    return %c0_i32, %arg0, %c0_i32_0 : i32, i32, i32
  }
  func.func @transform_1(%arg0: i32) -> (i32, i32, i32) {
    %c0_i32 = arith.constant 0 : i32
    %c0_i32_0 = arith.constant 0 : i32
    %c0_i32_1 = arith.constant 0 : i32
    return %c0_i32, %arg0, %c0_i32_0 : i32, i32, i32
  }
  func.func @transform_2(%arg0: i32) -> (i32, i32) {
    %c0_i32 = arith.constant 0 : i32
    %c0_i32_0 = arith.constant 0 : i32
    return %arg0, %c0_i32 : i32, i32
  }
  func.func @transform_3(%arg0: i32) -> (i32, i32) {
    %c0_i32 = arith.constant 0 : i32
    %c0_i32_0 = arith.constant 0 : i32
    %c0_i32_1 = arith.constant 0 : i32
    return %c0_i32, %c0_i32_0 : i32, i32
  }
  func.func @transform_4(%arg0: i32) -> (i32, i32) {
    %c0_i32 = arith.constant 0 : i32
    %c0_i32_0 = arith.constant 0 : i32
    %c0_i32_1 = arith.constant 0 : i32
    return %c0_i32, %c0_i32_0 : i32, i32
  }
  func.func @transform_5(%arg0: i32) -> (i32, i32) {
    %c0_i32 = arith.constant 0 : i32
    %c0_i32_0 = arith.constant 0 : i32
    return %arg0, %c0_i32 : i32, i32
  }
}

</mosaic_0001>

<sc_bundles>
// kernel: kernel.4.cloned.1.call-start
scs
__scs_entry_jumppad:
0x0: {  	(pc) =	sbr.rel $0x88, $3  }
0x1: {  	(tag) =	ssettag $0x0;
	lr =	simm.s32 $0x1  }
0x2: {  	[smem:$0x3F9D] =	sst lr;
	_ =	strace $0xD0000000  }
0x3: {  	_ = 	snop  }
0x4: {  	_ = 	snop  }
0x5: {  	_ = 	snop  }
0x6: {  	_ = 	snop  }
0x7: {  	_ = 	snop  }
__scs_overlays_trampoline_lowered:
0x8: {  	[smem:$0x3FAC] =	sst s0  }
0x9: {  	[smem:$0x3FAD] =	sst s1  }
0xa: {  	[smem:$0x3FAE] =	sst s2  }
0xb: {  	[smem:$0x3FAF] =	sst s3  }
0xc: {  	[smem:$0x3FB0] =	sst s4  }
0xd: {  	[smem:$0x3FB1] =	sst s5  }
0xe: {  	[smem:$0x3FB2] =	sst s6  }
0xf: {  	[smem:$0x3FB3] =	sst s7  }
0x10: {  	[smem:$0x3FB4] =	sst s8  }
0x11: {  	[smem:$0x3FB5] =	sst s9;
	s0 =	simm.s32 @!p0 $0x0  }
0x12: {  	s1 =	sld [smem:$0x3F9B];
	s0 =	simm.s32 @p0 $0x1  }
0x13: {  	[smem:$0x3FB6] =	sst s0;
	s0 =	simm.s32 @!p1 $0x0  }
0x14: {  	s2 =	sld [smem:$0x3F9A];
	s0 =	simm.s32 @p1 $0x1  }
0x15: {  	[smem:$0x3FB7] =	sst s0;
	s0 =	simm.s32 @!p2 $0x0  }
0x16: {  	s3 =	sld [smem:$0x3FDB];
	s0 =	simm.s32 @p2 $0x1  }
0x17: {  	s4 =	simm.s32 $0x1BF5;
	[smem:$0x3FB9] =	sst s0  }
0x18: {  	s0 =	sld [smem:$0x3F9C];
	_ =	swait.ge [sflag:s4], $0x0  }
0x19: {  	s7 =	sld [smem:$0x3F9D]  }
0x1a: {  	s8 =	sadd.s32 $0xFFFFE003, lr  }
0x1b: {  	s9 =	sadd.s32 $0xFFFFFEF7, lr;
	s5 =	simm.s32 $0xFFFFFFFF;
	p2 =	slt.u32 s8, $0xFFFFF086  }
0x1c: {  	p1 =	slt.u32 s9, $0xF7A;
	s5 =	simm.s32 @!p2 $0x0  }
0x1d: {  	s5 =	simm.s32 @p1 $0x1;
	p0 =	seq.s32 s7, s2  }
0x1e: {  	s7 =	smul.u32 @!p0 $0xF7A, s2;
	p2 =	seq.s32 @!p0 s5, $0x0  }
0x1f: {  	s9 =	smul.u32 $0xF7A, s1;
	s8 =	simm.s32 @!p0 $0x1BF5;
	p2 =	por !p2, p0  }
0x20: {  	[sflag:s8] =	ssyncset.s32 @!p0 $0xFFFFF086;
	s6 =	sadd.s32 @!p0 s3, s7;
	s7 =	simm.s32 @!p0 $0x108  }
0x21: {  	s3 =	sadd.s32 s3, s9;
	s6 =	sadd.s32 @!p0 $0x88, s6;
	s7 =	simm.s32 @p2 $0x1082  }
0x22: {  	[simem:s7], [sflag:s8] =	dma.local @!p0 [hbm:s6], $0xF7A  }
0x23: {  	s9 =	sor.u32 $0xD0000000, s2;
	s6 =	simm.s32 $0x108;
	_ =	swait.ge @!p0 [sflag:s8], $0x0  }
0x24: {  	s3 =	sadd.s32 $0x88, s3;
	s6 =	simm.s32 @!p1 $0x1082;
	[sflag:s4] =	ssyncset.s32 $0xFFFFF086  }
0x25: {  	[simem:s6], [sflag:s4] =	dma.local [hbm:s3], $0xF7A  }
0x26: {  	[smem:$0x3F9D] =	sst s1;
	(tag) =	ssettag s2;
	_ =	strace s9  }
0x27: {  	s1 =	sld [smem:$0x3FAD]  }
0x28: {  	s2 =	sld [smem:$0x3FAE]  }
0x29: {  	s4 =	sld [smem:$0x3FB0]  }
0x2a: {  	p0 =	seq.s32 s5, $0x0;
	s5 =	sld [smem:$0x3FB1]  }
0x2b: {  	s6 =	sld [smem:$0x3FB2]  }
0x2c: {  	s7 =	sld [smem:$0x3FB3]  }
0x2d: {  	s3 =	simm.s32 $0x108;
	s8 =	sld [smem:$0x3FB4]  }
0x2e: {  	s3 =	simm.s32 @!p0 $0x1082;
	s9 =	sld [smem:$0x3FB5]  }
0x2f: {  	lr =	sadd.s32 s0, s3;
	s0 =	sld [smem:$0x3FAC]  }
0x30: {  	s3 =	sld [smem:$0x3FAF]  }
0x31: {  	[smem:$0x3FB8] =	sst s10  }
0x32: {  	s10 =	sld [smem:$0x3FB6];
	_ =	sdelay $0x3  }
0x33: {  	p0 =	seq.s32 s10, $0x1;
	s10 =	sld [smem:$0x3FB8];
	_ =	sdelay $0x3  }
0x34: {  	[smem:$0x3FB8] =	sst s10  }
0x35: {  	s10 =	sld [smem:$0x3FB7];
	_ =	sdelay $0x3  }
0x36: {  	p1 =	seq.s32 s10, $0x1;
	s10 =	sld [smem:$0x3FB8];
	_ =	sdelay $0x3  }
0x37: {  	[smem:$0x3FB8] =	sst s10  }
0x38: {  	s10 =	sld [smem:$0x3FB9]  }
0x39: {  	_ = 	snop;
	(pc) =	sbr.ind lr, $3  }
0x3a: {  	_ = 	snop  }
0x3b: {  	_ = 	snop  }
0x3c: {  	p2 =	seq.s32 s10, $0x1;
	s10 =	sld [smem:$0x3FB8]  }
0x3d: {  	_ =	shalt  }
0x3e: {  	_ =	shalt  }
0x3f: {  	_ =	shalt  }
0x40: {  	_ =	shalt  }
0x41: {  	_ =	shalt  }
0x42: {  	_ =	shalt  }
0x43: {  	_ =	shalt  }
0x44: {  	_ =	shalt  }
0x45: {  	_ =	shalt  }
0x46: {  	_ =	shalt  }
0x47: {  	_ =	shalt  }
0x48: {  	_ =	shalt  }
0x49: {  	_ =	shalt  }
0x4a: {  	_ =	shalt  }
0x4b: {  	_ =	shalt  }
0x4c: {  	_ =	shalt  }
0x4d: {  	_ =	shalt  }
0x4e: {  	_ =	shalt  }
0x4f: {  	_ =	shalt  }
0x50: {  	_ =	shalt  }
0x51: {  	_ =	shalt  }
0x52: {  	_ =	shalt  }
0x53: {  	_ =	shalt  }
0x54: {  	_ =	shalt  }
0x55: {  	_ =	shalt  }
0x56: {  	_ =	shalt  }
0x57: {  	_ =	shalt  }
0x58: {  	_ =	shalt  }
0x59: {  	_ =	shalt  }
0x5a: {  	_ =	shalt  }
0x5b: {  	_ =	shalt  }
0x5c: {  	_ =	shalt  }
0x5d: {  	_ =	shalt  }
0x5e: {  	_ =	shalt  }
0x5f: {  	_ =	shalt  }
0x60: {  	_ =	shalt  }
0x61: {  	_ =	shalt  }
0x62: {  	_ =	shalt  }
0x63: {  	_ =	shalt  }
0x64: {  	_ =	shalt  }
0x65: {  	_ =	shalt  }
0x66: {  	_ =	shalt  }
0x67: {  	_ =	shalt  }
0x68: {  	_ =	shalt  }
0x69: {  	_ =	shalt  }
0x6a: {  	_ =	shalt  }
0x6b: {  	_ =	shalt  }
0x6c: {  	_ =	shalt  }
0x6d: {  	_ =	shalt  }
0x6e: {  	_ =	shalt  }
0x6f: {  	_ =	shalt  }
0x70: {  	_ =	shalt  }
0x71: {  	_ =	shalt  }
0x72: {  	_ =	shalt  }
0x73: {  	_ =	shalt  }
0x74: {  	_ =	shalt  }
0x75: {  	_ =	shalt  }
0x76: {  	_ =	shalt  }
0x77: {  	_ =	shalt  }
0x78: {  	_ =	shalt  }
0x79: {  	_ =	shalt  }
0x7a: {  	_ =	shalt  }
0x7b: {  	_ =	shalt  }
0x7c: {  	_ =	shalt  }
0x7d: {  	_ =	shalt  }
0x7e: {  	_ =	shalt  }
0x7f: {  	_ =	shalt  }
0x80: {  	_ =	shalt  }
0x81: {  	_ =	shalt  }
0x82: {  	_ =	shalt  }
0x83: {  	_ =	shalt  }
0x84: {  	_ =	shalt  }
0x85: {  	_ =	shalt  }
0x86: {  	_ =	shalt  }
0x87: {  	_ =	shalt  }
.Lfunc_end0:
.L_simem_size_0:
called_computation_lowered:
.L_overlay_start_0:
0x88: {  	s2 =	sld [smem:$0x3FD9]  }
0x89: {  	s3 =	sld [smem:$0x3FFE];
	_ =	sdelay $0x1  }
0x8a: {  	s1 =	srdreg.scid  }
0x8b: {  	s0 =	sand.u32 $0x1, s1  }
0x8c: {  	s17 =	sshll.u32 s0, $0xA;
	s2 =	sadd.s32 s3, s2  }
0x8d: {  	s2 =	sadd.s32 s2, s17  }
0x8e: {  	[smem:$0x3FC4] =	sst s2  }
0x8f: {  	_ = 	snop  }
0x90: {  	s2 =	sld [smem:$0x3FD0];
	(tm) =	ssettm $0x1  }
0x91: {  	s18 =	sld [smem:$0x3FFB];
	_ =	sdelay $0x3  }
0x92: {  	_ =	strace s18  }
0x93: {  	s3 =	sld [smem:$0x3FFC];
	_ =	sdelay $0x3  }
0x94: {  	_ =	strace s3  }
0x95: {  	s3 =	sld [smem:$0x3FFD];
	_ =	sdelay $0x3  }
0x96: {  	_ =	strace s3  }
0x97: {  	_ =	strace $0x8FFFFFFF  }
0x98: {  	s19 =	sld [smem:$0x3FDB];
	_ =	sdelay $0x1  }
0x99: {  	s4 =	simm.s32 $_scs_section_size  }
0x9a: {  	s5 =	simm.s32 $_size__tile_overlayer_lowered;
	s6 =	simm.s32 $_tile_overlayer_lowered  }
0x9b: {  	s22 =	simm.s32 $0x1BFF;
	s21 =	sshll.u32 s6, $0x1;
	s3 =	sadd.s32 s4, s19  }
0x9c: {  	s7 =	simm.s32 $0x0;
	s20 =	sshll.u32 s5, $0x1;
	s5 =	sadd.s32 s21, s3  }
0x9d: {  	[timem:s7], [sflag:s22] =	dma.local [hbm:s5], s20  }
0x9e: {  	_ =	swait.ge [sflag:s22], s20  }
0x9f: {  	s4 =	ssub.s32 $0x0, s20;
	[sflag:s22] =	ssyncset.done $0x0  }
0xa0: {  	[sflag:s22] =	ssyncadd.s32 s4;
	_ =	sdelay $0x1  }
0xa1: {  	s23 =	simm.s32 $0x1B8B  }
0xa2: {  	_ =	swait.ge [sflag:s23], $0x1  }
0xa3: {  	[sflag:s23] =	ssyncset.done $0x0  }
0xa4: {  	s25 =	simm.s32 $0x1B8E;
	s24 =	sld [smem:$0x3FFE];
	[sflag:s23] =	ssyncadd.s32 $0xFFFFFFFF  }
0xa5: {  	s26 =	simm.s32 $execute0_lowered;
	[smem:$0x3FD2] =	sst s25  }
0xa6: {  	s5 =	sshll.u32 s26, $0x1;
	_ =	strace $0x80000046;
	[dreg:$0x1] =	wrdreg $0xFFFFFFFF  }
0xa7: {  	s28 =	simm.s32 $_size_execute0_lowered;
	s3 =	sadd.s32 s3, s5;
	[dreg:$0x0] =	wrdreg $0x0  }
0xa8: {  	s5 =	sshll.u32 s28, $0x1;
	[dreg:$0x2] =	wrdreg s3  }
0xa9: {  	[dreg:$0x3] =	wrdreg s5  }
0xaa: {  	[dreg:$0x4] =	wrdreg $0xC0  }
0xab: {  	_ =	task [dreg:s7], $0x5FFFF  }
0xac: {  	[dreg:$0x1] =	wrdreg $0xFFFFFFFF  }
0xad: {  	[dreg:$0x0] =	wrdreg $0x60  }
0xae: {  	[dreg:$0x2] =	wrdreg s24  }
0xaf: {  	[dreg:$0x3] =	wrdreg s2  }
0xb0: {  	[dreg:$0x4] =	wrdreg $0xB6580  }
0xb1: {  	[dreg:$0x5] =	wrdreg $0x152980  }
0xb2: {  	[dreg:$0x6] =	wrdreg $0x9  }
0xb3: {  	_ =	task.clear_ibuf [dreg:s7], $0x7FFFF;
	_ =	strace $0x90000046  }
0xb4: {  	s29 =	simm.s32 $0x9;
	_ =	strace $0x80000048  }
0xb5: {  	_ =	swait.ge [sflag:s29], $0x1  }
0xb6: {  	[sflag:s29] =	ssyncadd.s32 $0xFFFFFFFF  }
0xb7: {  	_ =	strace $0x90000048  }
0xb8: {  	_ =	sfence  }
0xb9: {  	s30 =	sld [smem:$0x0];
	_ =	sdelay $0x2  }
0xba: {  	s31 =	sshll.u32 s1, $0xD;
	s1 =	sshrl.u32 s1, $0x2  }
0xbb: {  	s3 =	sand.u32 $0x4000, s31;
	s1 =	sadd.s32 s1, s30  }
0xbc: {  	s0 =	sor.u32 s3, s0;
	s1 =	sshll.u32 s1, $0x11  }
0xbd: {  	s0 =	sor.u32 s1, s0  }
0xbe: {  	s0 =	sadd.s32 $0x8F2B, s0  }
0xbf: {  	[sflag:s0] =	ssyncadd.remote.s32 $0x1  }
0xc0: {  	_ =	sfence.sel $0xFFFF  }
0xc1: {  	[dreg:$0x0] =	wrdreg $0xFFFFFFFF;
	(pc) =	sbr.abs _section_cstart, $3  }
0xc2: {  	[dreg:$0x1] =	wrdreg $0xFFFFFFFF  }
0xc3: {  	_ =	task.clear_ibuf [dreg:s7], $0x2FFFF;
	_ =	strace $0x9FFFFFFF  }
0xc4: {  	(tm) =	ssettm $0x7FFFFFFF  }
0xc5: {  	_ =	shalt  }
tec
execute0_lowered:
.L_overlay_start_1:
0x0: {  	(tag) =	ssettag $0x1  }
0x1: {  	s0 =	rddreg [dreg:$0x0]  }
0x2: {  	s2 =	rddreg [dreg:$0x1]  }
0x3: {  	s1 =	rddreg [dreg:$0x2]  }
0x4: {  	s3 =	rddreg [dreg:$0x3];
	s14 =	stileid.u32  }
0x5: {  	s4 =	srdreg.scid;
	s8 =	smul.u32 $0x3E8, s14  }
0x6: {  	s29 =	simm.s32 $0x7620;
	s31 =	simm.s32 $0x8A20;
	s10 =	smul.u32 $0x27100, s14  }
0x7: {  	s28 =	simm.s32 $0x1;
	s30 =	simm.s32 $0xB608;
	s15 =	smul.u32 $0xFA0, s14  }
0x8: {  	s6 =	sand.u32 $0x1, s4;
	s4 =	simm.s32 $0x0;
	s16 =	smul.u32 $0x13880, s14  }
0x9: {  	s7 =	sshll.u32 s14, $0x1;
	p0 =	sgt.u32 s14, $0x9;
	s5 =	smul.u32 $0x2710, s6  }
0xa: {  	[smem:$0x7FF] =	sst s4;
	s7 =	sor.u32 s6, s7;
	s12 =	smul.u32 $0x138800, s6  }
0xb: {  	s11 =	ssub.s32 $0x2, s6;
	_ =	strace $0x80000047;
	s7 =	smul.u32 $0x4E2, s7  }
0xc: {  	s10 =	sshrl.u32 s10, $0x2;
	s13 =	sshrl.u32 s11, $0x1;
	s21 =	sshrl.u32 s16, $0x1  }
0xd: {  	s9 =	sadd.s32 s8, s5;
	s5 =	sadd.s32 $0x1000, s0;
	s6 =	sadd.s32 s10, s1  }
0xe: {  	s11 =	ssub.s32 s11, s13;
	s19 =	sadd.s32 s16, s12;
	s22 =	sadd.s32 s21, s1  }
0xf: {  	s21 =	simm.s32 $0x6;
	s10 =	simm.s32 $0x4CE0;
	s12 =	simm.s32 $0x4D80  }
0x10: {  	s13 =	simm.s32 $0x4DD0;
	s9 =	sshrl.u32 s9, $0x3;
	s7 =	sadd.s32 s7, s0  }
0x11: {  	s17 =	sadd.s32 $0x8C00, s6;
	s20 =	sshrl.u32 s19, $0x4;
	s23 =	smax.u32 s11, $0x1  }
0x12: {  	s24 =	sadd.s32 $0x1400, s6;
	s25 =	sadd.s32 $0x2800, s6;
	[dreg:$0x5] =	wrdreg s17  }
0x13: {  	s26 =	sadd.s32 $0x3C00, s6;
	s19 =	sadd.s32 $0x7800, s6;
	[dreg:$0xb] =	wrdreg s23  }
0x14: {  	s11 =	simm.s32 $0x4D30;
	s0 =	sadd.s32 s9, s0;
	[dreg:$0xc] =	wrdreg s24  }
0x15: {  	s9 =	sshrl.u32 s15, $0x2;
	s18 =	sadd.s32 $0x1E800, s7;
	[dreg:$0xd] =	wrdreg s25  }
0x16: {  	s7 =	sadd.s32 $0x14A00, s7;
	s2 =	sadd.s32 s2, s20;
	[dreg:$0xe] =	wrdreg s26  }
0x17: {  	s17 =	sadd.s32 $0x5000, s6;
	s20 =	simm.s32 $0x4E20;
	s23 =	simm.s32 $0x50  }
0x18: {  	s24 =	sshrl.u32 s22, $0x3;
	s26 =	simm.s32 $0x6220;
	[dreg:$0x7] =	wrdreg s18  }
0x19: {  	s22 =	simm.s32 $0x9E20;
	s9 =	sadd.s32 s9, s3;
	[dreg:$0x8] =	wrdreg s7  }
0x1a: {  	[dreg:$0x9] =	wrdreg s2;
	s0 =	sadd.s32 $0x28600, s0;
	s18 =	sadd.s32 $0x6400, s6  }
0x1b: {  	s2 =	simm.s32 $0x3;
	s7 =	simm.s32 $0x4;
	[dreg:$0x6] =	wrdreg s9  }
0x1c: {  	[dreg:$0xa] =	wrdreg s0;
	s0 =	sadd.s32 s8, s3;
	s8 =	simm.s32 $0x5  }
0x1d: {  	v0 =	vimm.bf16 $0.0e+00;
	v1 =	vimm.f32 $0.0e+00;
	v2 =	vimm.f32 $1.000000000e+00;
	s9 =	simm.s32 $0x4C90;
	s25 =	sshrl.u32 @!p0 s0, $0x3;
	s0 =	simm.s32 $0x2  }
.LBB2_1:
0x1e: {  	s14 =	simm.s32 $0x0  }
.LBB2_2:
0x1f: {  	p1 =	sne.s32 s14, $0x4F00  }
.Ltmp0:
0x20: {  	s15 =	sshra.s32 s14, $0x2;
	(pc) =	sbr.rel @p1 .LBB2_2-.Ltmp0, $4  }
0x21: {  	[tilespmem:s15+$0x4E20] =	vst v0  }
0x22: {  	[tilespmem:s15+$0x4E30] =	vst v0  }
0x23: {  	[tilespmem:s15+$0x4E40] =	vst v0  }
0x24: {  	s14 =	sadd.s32 $0x100, s14;
	[tilespmem:s15+$0x4E50] =	vst v0  }
0x25: {  	s14 =	simm.s32 $0x40;
	s15 =	simm.s32 $0x0  }
.LBB2_4:
0x26: {  	p1 =	sne.s32 s14, $0xF40;
	[tilespmem:s15+$0xB220] =	vst v1;
	s15 =	smov.u32 s14;
	s14 =	sadd.s32 $0x40, s14  }
.Ltmp1:
0x27: {  	(pc) =	sbr.rel @p1 .LBB2_4-.Ltmp1, $2  }
0x28: {  	_ =	sdelay $0x2  }
0x29: {  	s15 =	sshra.s32 s15, $0x2  }
0x2a: {  	[tilespmem:s15+$0xB220] =	vst v1  }
0x2b: {  	[tilespmem:$0xB608] =	vst v2  }
0x2c: {  	[tilespmem:$0xB618] =	vst v2  }
0x2d: {  	[tilespmem:$0xB628] =	vst v2  }
0x2e: {  	[tilespmem:$0xB638] =	vst v2  }
0x2f: {  	[tilespmem:$0xB648] =	vst v2  }
0x30: {  	[spmem:s6] =	stream.linear.scatter [tilespmem:s20], [sflag:$0x6], $0x1400, $0x38;
	[tilespmem:$0x15510] =	vst v63  }
0x31: {  	_ =	swait.ge [sflag:s21], $0x1400  }
0x32: {  	[sflag:s21] =	ssyncset.done $0x0  }
0x33: {  	s14 =	rddreg [dreg:$0xc];
	[sflag:s21] =	ssyncadd.s32 $0xFFFFEC00  }
0x34: {  	[spmem:s14] =	stream.linear.scatter [tilespmem:s20], [sflag:$0x6], $0x1400, $0x38;
	[tilespmem:$0x15510] =	vst v63  }
0x35: {  	_ =	swait.ge [sflag:s21], $0x1400  }
0x36: {  	[sflag:s21] =	ssyncset.done $0x0  }
0x37: {  	s15 =	rddreg [dreg:$0xd];
	[sflag:s21] =	ssyncadd.s32 $0xFFFFEC00  }
0x38: {  	[spmem:s15] =	stream.linear.scatter [tilespmem:s20], [sflag:$0x6], $0x1400, $0x38;
	[tilespmem:$0x15510] =	vst v63  }
0x39: {  	_ =	swait.ge [sflag:s21], $0x1400  }
0x3a: {  	[sflag:s21] =	ssyncset.done $0x0  }
0x3b: {  	s16 =	rddreg [dreg:$0xe];
	[sflag:s21] =	ssyncadd.s32 $0xFFFFEC00  }
0x3c: {  	[spmem:s16] =	stream.linear.scatter [tilespmem:s20], [sflag:$0x6], $0x1400, $0x38;
	[tilespmem:$0x15510] =	vst v63  }
0x3d: {  	_ =	swait.ge [sflag:s21], $0x1400  }
0x3e: {  	[sflag:s21] =	ssyncset.done $0x0  }
0x3f: {  	[sflag:s21] =	ssyncadd.s32 $0xFFFFEC00  }
0x40: {  	[spmem:s17] =	stream.linear.scatter [tilespmem:s20], [sflag:$0x6], $0x1400, $0x38;
	[tilespmem:$0x15510] =	vst v63  }
0x41: {  	_ =	swait.ge [sflag:s21], $0x1400  }
0x42: {  	[sflag:s21] =	ssyncset.done $0x0  }
0x43: {  	[sflag:s21] =	ssyncadd.s32 $0xFFFFEC00  }
0x44: {  	[spmem:s18] =	stream.linear.scatter [tilespmem:s20], [sflag:$0x6], $0x1400, $0x38;
	[tilespmem:$0x15510] =	vst v63  }
0x45: {  	_ =	swait.ge [sflag:s21], $0x1400  }
0x46: {  	[sflag:s21] =	ssyncset.done $0x0  }
0x47: {  	[sflag:s21] =	ssyncadd.s32 $0xFFFFEC00  }
0x48: {  	[spmem:s19] =	stream.linear.scatter [tilespmem:s20], [sflag:$0x6], $0x1400, $0x38;
	[tilespmem:$0x15510] =	vst v63  }
0x49: {  	_ =	swait.ge [sflag:s21], $0x1400  }
0x4a: {  	[sflag:s21] =	ssyncset.done $0x0  }
0x4b: {  	s15 =	rddreg [dreg:$0x5];
	[sflag:s21] =	ssyncadd.s32 $0xFFFFEC00  }
0x4c: {  	[spmem:s15] =	stream.linear.scatter [tilespmem:s20], [sflag:$0x6], $0x1040, $0x38;
	[tilespmem:$0x15510] =	vst v63  }
0x4d: {  	_ =	swait.ge [sflag:s21], $0x1040  }
0x4e: {  	[sflag:s21] =	ssyncset.done $0x0  }
0x4f: {  	s14 =	simm.s32 @!p0 $0xB220;
	s15 =	rddreg [dreg:$0x6];
	[sflag:s21] =	ssyncadd.s32 $0xFFFFEFC0  }
0x50: {  	[spmem:s15] =	stream.linear.scatter @!p0 [tilespmem:s14], [sflag:$0x6], $0x3E8, $0x38;
	[tilespmem:$0x15510] =	vst v63  }
0x51: {  	s14 =	simm.s32 @!p0 $0x6  }
0x52: {  	_ =	swait.ge @!p0 [sflag:s14], $0x3E8  }
0x53: {  	[sflag:s14] =	ssyncset.done @!p0 $0x0  }
0x54: {  	s16 =	rddreg [dreg:$0x7];
	[sflag:s14] =	ssyncadd.s32 @!p0 $0xFFFFFC18;
	s14 =	simm.s32 $0x0  }
0x55: {  	[tilespmem:s14], [sflag:$0x6] =	stream.linear.gather [hbm4b:s16+s14], $0x2710, $0x38;
	[tilespmem:$0x15510] =	vst v63  }
0x56: {  	_ =	swait.ge [sflag:s21], $0x2710  }
0x57: {  	[sflag:s21] =	ssyncset.done $0x0  }
0x58: {  	s16 =	simm.s32 $0x2710;
	s15 =	rddreg [dreg:$0x8];
	[sflag:s21] =	ssyncadd.s32 $0xFFFFD8F0  }
0x59: {  	[tilespmem:s16], [sflag:$0x6] =	stream.linear.gather [hbm4b:s15+s14], $0x2710, $0x38;
	[tilespmem:$0x15510] =	vst v63  }
0x5a: {  	_ =	swait.ge [sflag:s21], $0x2710  }
0x5b: {  	[sflag:s21] =	ssyncset.done $0x0  }
0x5c: {  	[sflag:s21] =	ssyncadd.s32 $0xFFFFD8F0  }
0x5d: {  	[bflag:$0x0] =	sbarrier.arrive $0xFFFF  }
0x5e: {  	[tilespmem:s20], [sflag:$0x1] =	stream.indirect.gather [hbm4b:s5+s23], $0x40, s14, s23, $0xb8;
	[tilespmem:$0x15510] =	vst v63  }
0x5f: {  	_ = 	snop  }
0x60: {  	[tilespmem:s26], [sflag:$0x2] =	stream.indirect.gather [hbm4b:s5+s23], $0x40, s23, s23, $0xb8;
	[tilespmem:$0x15510] =	vst v63  }
0x61: {  	s15 =	simm.s32 $0xA0  }
0x62: {  	[tilespmem:s29], [sflag:$0x3] =	stream.indirect.gather [hbm4b:s5+s23], $0x40, s15, s23, $0xb8;
	[tilespmem:$0x15510] =	vst v63  }
0x63: {  	s16 =	simm.s32 $0xF0  }
0x64: {  	[tilespmem:s31], [sflag:$0x4] =	stream.indirect.gather [hbm4b:s5+s23], $0x40, s16, s23, $0xb8;
	[tilespmem:$0x15510] =	vst v63  }
0x65: {  	s15 =	simm.s32 $0x140  }
0x66: {  	[tilespmem:s22], [sflag:$0x5] =	stream.indirect.gather [hbm4b:s5+s23], $0x40, s15, s23, $0xb8;
	[tilespmem:$0x15510] =	vst v63  }
0x67: {  	_ =	swait.ge [sflag:s28], $0x1400  }
0x68: {  	[sflag:s28] =	ssyncset.done $0x0  }
0x69: {  	s16 =	simm.s32 $0x2710;
	[sflag:s28] =	ssyncadd.s32 $0xFFFFEC00  }
0x6a: {  	[spmem:s1] =	stream.indirect.scatter.add.bf16 [tilespmem:s20], [sflag:$0x6], $0x40, s16, s23, $0xb8;
	[tilespmem:$0x15510] =	vst v63  }
0x6b: {  	_ =	swait.ge [sflag:s21], $0x1400  }
0x6c: {  	[sflag:s21] =	ssyncset.done $0x0  }
0x6d: {  	[sflag:s21] =	ssyncadd.s32 $0xFFFFEC00  }
0x6e: {  	[spmem:s3] =	stream.indirect.scatter.add.f32 [tilespmem:s30], [sflag:$0x6], $0x1, s16, s23, $0xb8;
	[tilespmem:$0x15510] =	vst v63  }
0x6f: {  	_ =	swait.ge [sflag:s21], $0x50  }
0x70: {  	[sflag:s21] =	ssyncset.done $0x0  }
0x71: {  	s15 =	simm.s32 $0x190;
	[sflag:s21] =	ssyncadd.s32 $0xFFFFFFB0  }
0x72: {  	[tilespmem:s20], [sflag:$0x1] =	stream.indirect.gather [hbm4b:s5+s23], $0x40, s15, s23, $0xb8;
	[tilespmem:$0x15510] =	vst v63  }
0x73: {  	_ =	swait.ge [sflag:s0], $0x1400  }
0x74: {  	[sflag:s0] =	ssyncset.done $0x0  }
0x75: {  	s16 =	simm.s32 $0x2760;
	[sflag:s0] =	ssyncadd.s32 $0xFFFFEC00  }
0x76: {  	[spmem:s1] =	stream.indirect.scatter.add.bf16 [tilespmem:s26], [sflag:$0x6], $0x40, s16, s23, $0xb8;
	[tilespmem:$0x15510] =	vst v63  }
0x77: {  	_ =	swait.ge [sflag:s21], $0x1400  }
0x78: {  	[sflag:s21] =	ssyncset.done $0x0  }
0x79: {  	[sflag:s21] =	ssyncadd.s32 $0xFFFFEC00  }
0x7a: {  	[spmem:s3] =	stream.indirect.scatter.add.f32 [tilespmem:s30], [sflag:$0x6], $0x1, s16, s23, $0xb8;
	[tilespmem:$0x15510] =	vst v63  }
0x7b: {  	_ =	swait.ge [sflag:s21], $0x50  }
0x7c: {  	[sflag:s21] =	ssyncset.done $0x0  }
0x7d: {  	s15 =	simm.s32 $0x1E0;
	[sflag:s21] =	ssyncadd.s32 $0xFFFFFFB0  }
0x7e: {  	[tilespmem:s26], [sflag:$0x2] =	stream.indirect.gather [hbm4b:s5+s23], $0x40, s15, s23, $0xb8;
	[tilespmem:$0x15510] =	vst v63  }
0x7f: {  	_ =	swait.ge [sflag:s2], $0x1400  }
0x80: {  	[sflag:s2] =	ssyncset.done $0x0  }
0x81: {  	s16 =	simm.s32 $0x27B0;
	[sflag:s2] =	ssyncadd.s32 $0xFFFFEC00  }
0x82: {  	[spmem:s1] =	stream.indirect.scatter.add.bf16 [tilespmem:s29], [sflag:$0x6], $0x40, s16, s23, $0xb8;
	[tilespmem:$0x15510] =	vst v63  }
0x83: {  	_ =	swait.ge [sflag:s21], $0x1400  }
0x84: {  	[sflag:s21] =	ssyncset.done $0x0  }
0x85: {  	[sflag:s21] =	ssyncadd.s32 $0xFFFFEC00  }
0x86: {  	[spmem:s3] =	stream.indirect.scatter.add.f32 [tilespmem:s30], [sflag:$0x6], $0x1, s16, s23, $0xb8;
	[tilespmem:$0x15510] =	vst v63  }
0x87: {  	_ =	swait.ge [sflag:s21], $0x50  }
0x88: {  	[sflag:s21] =	ssyncset.done $0x0  }
0x89: {  	s15 =	simm.s32 $0x230;
	[sflag:s21] =	ssyncadd.s32 $0xFFFFFFB0  }
0x8a: {  	[tilespmem:s29], [sflag:$0x3] =	stream.indirect.gather [hbm4b:s5+s23], $0x40, s15, s23, $0xb8;
	[tilespmem:$0x15510] =	vst v63  }
0x8b: {  	_ =	swait.ge [sflag:s7], $0x1400  }
0x8c: {  	[sflag:s7] =	ssyncset.done $0x0  }
0x8d: {  	s16 =	simm.s32 $0x2800;
	[sflag:s7] =	ssyncadd.s32 $0xFFFFEC00  }
0x8e: {  	[spmem:s1] =	stream.indirect.scatter.add.bf16 [tilespmem:s31], [sflag:$0x6], $0x40, s16, s23, $0xb8;
	[tilespmem:$0x15510] =	vst v63  }
0x8f: {  	_ =	swait.ge [sflag:s21], $0x1400  }
0x90: {  	[sflag:s21] =	ssyncset.done $0x0  }
0x91: {  	[sflag:s21] =	ssyncadd.s32 $0xFFFFEC00  }
0x92: {  	[spmem:s3] =	stream.indirect.scatter.add.f32 [tilespmem:s30], [sflag:$0x6], $0x1, s16, s23, $0xb8;
	[tilespmem:$0x15510] =	vst v63  }
0x93: {  	_ =	swait.ge [sflag:s21], $0x50  }
0x94: {  	[sflag:s21] =	ssyncset.done $0x0  }
0x95: {  	s15 =	simm.s32 $0x280;
	[sflag:s21] =	ssyncadd.s32 $0xFFFFFFB0  }
0x96: {  	[tilespmem:s31], [sflag:$0x4] =	stream.indirect.gather [hbm4b:s5+s23], $0x40, s15, s23, $0xb8;
	[tilespmem:$0x15510] =	vst v63  }
0x97: {  	_ =	swait.ge [sflag:s8], $0x1400  }
0x98: {  	[sflag:s8] =	ssyncset.done $0x0  }
0x99: {  	s16 =	simm.s32 $0x2850;
	[sflag:s8] =	ssyncadd.s32 $0xFFFFEC00  }
0x9a: {  	[spmem:s1] =	stream.indirect.scatter.add.bf16 [tilespmem:s22], [sflag:$0x6], $0x40, s16, s23, $0xb8;
	[tilespmem:$0x15510] =	vst v63  }
0x9b: {  	_ =	swait.ge [sflag:s21], $0x1400  }
0x9c: {  	[sflag:s21] =	ssyncset.done $0x0  }
0x9d: {  	[sflag:s21] =	ssyncadd.s32 $0xFFFFEC00  }
0x9e: {  	[spmem:s3] =	stream.indirect.scatter.add.f32 [tilespmem:s30], [sflag:$0x6], $0x1, s16, s23, $0xb8;
	[tilespmem:$0x15510] =	vst v63  }
0x9f: {  	_ =	swait.ge [sflag:s21], $0x50  }
0xa0: {  	[sflag:s21] =	ssyncset.done $0x0  }
0xa1: {  	s14 =	simm.s32 $0x640;
	s15 =	simm.s32 $0x2D0;
	[sflag:s21] =	ssyncadd.s32 $0xFFFFFFB0  }
.LBB2_6:
0xa2: {  	[tilespmem:s22], [sflag:$0x5] =	stream.indirect.gather [hbm4b:s5+s23], $0x40, s15, s23, $0xb8;
	[tilespmem:$0x15510] =	vst v63  }
0xa3: {  	s15 =	smov.u32 s14  }
0xa4: {  	p1 =	sne.s32 s14, $0x8FC0;
	s14 =	sadd.s32 $0x640, s14;
	_ =	swait.ge [sflag:s28], $0x1400  }
0xa5: {  	s15 =	sshra.s32 s15, $0x2;
	[sflag:s28] =	ssyncset.done $0x0  }
0xa6: {  	s16 =	sadd.s32 $0x2710, s15;
	[sflag:s28] =	ssyncadd.s32 $0xFFFFEC00  }
0xa7: {  	[spmem:s1] =	stream.indirect.scatter.add.bf16 [tilespmem:s20], [sflag:$0x6], $0x40, s16, s23, $0xb8;
	[tilespmem:$0x15510] =	vst v63  }
0xa8: {  	_ =	swait.ge [sflag:s21], $0x1400  }
0xa9: {  	[sflag:s21] =	ssyncset.done $0x0  }
0xaa: {  	[sflag:s21] =	ssyncadd.s32 $0xFFFFEC00  }
0xab: {  	[spmem:s3] =	stream.indirect.scatter.add.f32 [tilespmem:s30], [sflag:$0x6], $0x1, s16, s23, $0xb8;
	[tilespmem:$0x15510] =	vst v63  }
0xac: {  	_ =	swait.ge [sflag:s21], $0x50  }
0xad: {  	[sflag:s21] =	ssyncset.done $0x0  }
0xae: {  	s16 =	sadd.s32 $0x190, s15;
	[sflag:s21] =	ssyncadd.s32 $0xFFFFFFB0  }
0xaf: {  	[tilespmem:s20], [sflag:$0x1] =	stream.indirect.gather [hbm4b:s5+s23], $0x40, s16, s23, $0xb8;
	[tilespmem:$0x15510] =	vst v63  }
0xb0: {  	_ =	swait.ge [sflag:s0], $0x1400  }
0xb1: {  	[sflag:s0] =	ssyncset.done $0x0  }
0xb2: {  	s16 =	sadd.s32 $0x2760, s15;
	[sflag:s0] =	ssyncadd.s32 $0xFFFFEC00  }
0xb3: {  	[spmem:s1] =	stream.indirect.scatter.add.bf16 [tilespmem:s26], [sflag:$0x6], $0x40, s16, s23, $0xb8;
	[tilespmem:$0x15510] =	vst v63  }
0xb4: {  	_ =	swait.ge [sflag:s21], $0x1400  }
0xb5: {  	[sflag:s21] =	ssyncset.done $0x0  }
0xb6: {  	[sflag:s21] =	ssyncadd.s32 $0xFFFFEC00  }
0xb7: {  	[spmem:s3] =	stream.indirect.scatter.add.f32 [tilespmem:s30], [sflag:$0x6], $0x1, s16, s23, $0xb8;
	[tilespmem:$0x15510] =	vst v63  }
0xb8: {  	_ =	swait.ge [sflag:s21], $0x50  }
0xb9: {  	[sflag:s21] =	ssyncset.done $0x0  }
0xba: {  	s16 =	sadd.s32 $0x1E0, s15;
	[sflag:s21] =	ssyncadd.s32 $0xFFFFFFB0  }
0xbb: {  	[tilespmem:s26], [sflag:$0x2] =	stream.indirect.gather [hbm4b:s5+s23], $0x40, s16, s23, $0xb8;
	[tilespmem:$0x15510] =	vst v63  }
0xbc: {  	_ =	swait.ge [sflag:s2], $0x1400  }
0xbd: {  	[sflag:s2] =	ssyncset.done $0x0  }
0xbe: {  	s16 =	sadd.s32 $0x27B0, s15;
	[sflag:s2] =	ssyncadd.s32 $0xFFFFEC00  }
0xbf: {  	[spmem:s1] =	stream.indirect.scatter.add.bf16 [tilespmem:s29], [sflag:$0x6], $0x40, s16, s23, $0xb8;
	[tilespmem:$0x15510] =	vst v63  }
0xc0: {  	_ =	swait.ge [sflag:s21], $0x1400  }
0xc1: {  	[sflag:s21] =	ssyncset.done $0x0  }
0xc2: {  	[sflag:s21] =	ssyncadd.s32 $0xFFFFEC00  }
0xc3: {  	[spmem:s3] =	stream.indirect.scatter.add.f32 [tilespmem:s30], [sflag:$0x6], $0x1, s16, s23, $0xb8;
	[tilespmem:$0x15510] =	vst v63  }
0xc4: {  	_ =	swait.ge [sflag:s21], $0x50  }
0xc5: {  	[sflag:s21] =	ssyncset.done $0x0  }
0xc6: {  	s16 =	sadd.s32 $0x230, s15;
	[sflag:s21] =	ssyncadd.s32 $0xFFFFFFB0  }
0xc7: {  	[tilespmem:s29], [sflag:$0x3] =	stream.indirect.gather [hbm4b:s5+s23], $0x40, s16, s23, $0xb8;
	[tilespmem:$0x15510] =	vst v63  }
0xc8: {  	_ =	swait.ge [sflag:s7], $0x1400  }
0xc9: {  	[sflag:s7] =	ssyncset.done $0x0  }
0xca: {  	s16 =	sadd.s32 $0x2800, s15;
	[sflag:s7] =	ssyncadd.s32 $0xFFFFEC00  }
0xcb: {  	[spmem:s1] =	stream.indirect.scatter.add.bf16 [tilespmem:s31], [sflag:$0x6], $0x40, s16, s23, $0xb8;
	[tilespmem:$0x15510] =	vst v63  }
0xcc: {  	_ =	swait.ge [sflag:s21], $0x1400  }
0xcd: {  	[sflag:s21] =	ssyncset.done $0x0  }
0xce: {  	[sflag:s21] =	ssyncadd.s32 $0xFFFFEC00  }
0xcf: {  	[spmem:s3] =	stream.indirect.scatter.add.f32 [tilespmem:s30], [sflag:$0x6], $0x1, s16, s23, $0xb8;
	[tilespmem:$0x15510] =	vst v63  }
0xd0: {  	_ =	swait.ge [sflag:s21], $0x50  }
0xd1: {  	[sflag:s21] =	ssyncset.done $0x0  }
0xd2: {  	s16 =	sadd.s32 $0x280, s15;
	[sflag:s21] =	ssyncadd.s32 $0xFFFFFFB0  }
0xd3: {  	[tilespmem:s31], [sflag:$0x4] =	stream.indirect.gather [hbm4b:s5+s23], $0x40, s16, s23, $0xb8;
	[tilespmem:$0x15510] =	vst v63  }
0xd4: {  	_ =	swait.ge [sflag:s8], $0x1400  }
0xd5: {  	[sflag:s8] =	ssyncset.done $0x0  }
0xd6: {  	s16 =	sadd.s32 $0x2850, s15;
	[sflag:s8] =	ssyncadd.s32 $0xFFFFEC00  }
0xd7: {  	[spmem:s1] =	stream.indirect.scatter.add.bf16 [tilespmem:s22], [sflag:$0x6], $0x40, s16, s23, $0xb8;
	[tilespmem:$0x15510] =	vst v63  }
0xd8: {  	_ =	swait.ge [sflag:s21], $0x1400  }
0xd9: {  	[sflag:s21] =	ssyncset.done $0x0  }
.Ltmp2:
0xda: {  	[sflag:s21] =	ssyncadd.s32 $0xFFFFEC00;
	(pc) =	sbr.rel @p1 .LBB2_6-.Ltmp2, $4  }
0xdb: {  	[spmem:s3] =	stream.indirect.scatter.add.f32 [tilespmem:s30], [sflag:$0x6], $0x1, s16, s23, $0xb8;
	[tilespmem:$0x15510] =	vst v63  }
0xdc: {  	_ =	swait.ge [sflag:s21], $0x50  }
0xdd: {  	[sflag:s21] =	ssyncset.done $0x0  }
0xde: {  	s15 =	sadd.s32 $0x2D0, s15;
	[sflag:s21] =	ssyncadd.s32 $0xFFFFFFB0  }
0xdf: {  	[tilespmem:s22], [sflag:$0x5] =	stream.indirect.gather [hbm4b:s5+s23], $0x40, s15, s23, $0xb8;
	[tilespmem:$0x15510] =	vst v63  }
0xe0: {  	_ =	swait.ge [sflag:s28], $0x1400  }
0xe1: {  	[sflag:s28] =	ssyncset.done $0x0  }
0xe2: {  	[sflag:s28] =	ssyncadd.s32 $0xFFFFEC00  }
0xe3: {  	[spmem:s1] =	stream.indirect.scatter.add.bf16 [tilespmem:s20], [sflag:$0x6], $0x40, s9, s23, $0xb8;
	[tilespmem:$0x15510] =	vst v63  }
0xe4: {  	_ =	swait.ge [sflag:s21], $0x1400  }
0xe5: {  	[sflag:s21] =	ssyncset.done $0x0  }
0xe6: {  	[sflag:s21] =	ssyncadd.s32 $0xFFFFEC00  }
0xe7: {  	[spmem:s3] =	stream.indirect.scatter.add.f32 [tilespmem:s30], [sflag:$0x6], $0x1, s9, s23, $0xb8;
	[tilespmem:$0x15510] =	vst v63  }
0xe8: {  	_ =	swait.ge [sflag:s21], $0x50  }
0xe9: {  	[sflag:s21] =	ssyncset.done $0x0  }
0xea: {  	[sflag:s21] =	ssyncadd.s32 $0xFFFFFFB0  }
0xeb: {  	_ =	swait.ge [sflag:s0], $0x1400  }
0xec: {  	[sflag:s0] =	ssyncset.done $0x0  }
0xed: {  	[sflag:s0] =	ssyncadd.s32 $0xFFFFEC00  }
0xee: {  	[spmem:s1] =	stream.indirect.scatter.add.bf16 [tilespmem:s26], [sflag:$0x6], $0x40, s10, s23, $0xb8;
	[tilespmem:$0x15510] =	vst v63  }
0xef: {  	_ =	swait.ge [sflag:s21], $0x1400  }
0xf0: {  	[sflag:s21] =	ssyncset.done $0x0  }
0xf1: {  	[sflag:s21] =	ssyncadd.s32 $0xFFFFEC00  }
0xf2: {  	[spmem:s3] =	stream.indirect.scatter.add.f32 [tilespmem:s30], [sflag:$0x6], $0x1, s10, s23, $0xb8;
	[tilespmem:$0x15510] =	vst v63  }
0xf3: {  	_ =	swait.ge [sflag:s21], $0x50  }
0xf4: {  	[sflag:s21] =	ssyncset.done $0x0  }
0xf5: {  	[sflag:s21] =	ssyncadd.s32 $0xFFFFFFB0  }
0xf6: {  	_ =	swait.ge [sflag:s2], $0x1400  }
0xf7: {  	[sflag:s2] =	ssyncset.done $0x0  }
0xf8: {  	[sflag:s2] =	ssyncadd.s32 $0xFFFFEC00  }
0xf9: {  	[spmem:s1] =	stream.indirect.scatter.add.bf16 [tilespmem:s29], [sflag:$0x6], $0x40, s11, s23, $0xb8;
	[tilespmem:$0x15510] =	vst v63  }
0xfa: {  	_ =	swait.ge [sflag:s21], $0x1400  }
0xfb: {  	[sflag:s21] =	ssyncset.done $0x0  }
0xfc: {  	[sflag:s21] =	ssyncadd.s32 $0xFFFFEC00  }
0xfd: {  	[spmem:s3] =	stream.indirect.scatter.add.f32 [tilespmem:s30], [sflag:$0x6], $0x1, s11, s23, $0xb8;
	[tilespmem:$0x15510] =	vst v63  }
0xfe: {  	_ =	swait.ge [sflag:s21], $0x50  }
0xff: {  	[sflag:s21] =	ssyncset.done $0x0  }
0x100: {  	[sflag:s21] =	ssyncadd.s32 $0xFFFFFFB0  }
0x101: {  	_ =	swait.ge [sflag:s7], $0x1400  }
0x102: {  	[sflag:s7] =	ssyncset.done $0x0  }
0x103: {  	[sflag:s7] =	ssyncadd.s32 $0xFFFFEC00  }
0x104: {  	[spmem:s1] =	stream.indirect.scatter.add.bf16 [tilespmem:s31], [sflag:$0x6], $0x40, s12, s23, $0xb8;
	[tilespmem:$0x15510] =	vst v63  }
0x105: {  	_ =	swait.ge [sflag:s21], $0x1400  }
0x106: {  	[sflag:s21] =	ssyncset.done $0x0  }
0x107: {  	[sflag:s21] =	ssyncadd.s32 $0xFFFFEC00  }
0x108: {  	[spmem:s3] =	stream.indirect.scatter.add.f32 [tilespmem:s30], [sflag:$0x6], $0x1, s12, s23, $0xb8;
	[tilespmem:$0x15510] =	vst v63  }
0x109: {  	_ =	swait.ge [sflag:s21], $0x50  }
0x10a: {  	[sflag:s21] =	ssyncset.done $0x0  }
0x10b: {  	[sflag:s21] =	ssyncadd.s32 $0xFFFFFFB0  }
0x10c: {  	_ =	swait.ge [sflag:s8], $0x1400  }
0x10d: {  	[sflag:s8] =	ssyncset.done $0x0  }
0x10e: {  	[sflag:s8] =	ssyncadd.s32 $0xFFFFEC00  }
0x10f: {  	[spmem:s1] =	stream.indirect.scatter.add.bf16 [tilespmem:s22], [sflag:$0x6], $0x40, s13, s23, $0xb8;
	[tilespmem:$0x15510] =	vst v63  }
0x110: {  	_ =	swait.ge [sflag:s21], $0x1400  }
0x111: {  	[sflag:s21] =	ssyncset.done $0x0  }
0x112: {  	[sflag:s21] =	ssyncadd.s32 $0xFFFFEC00  }
0x113: {  	[spmem:s3] =	stream.indirect.scatter.add.f32 [tilespmem:s30], [sflag:$0x6], $0x1, s13, s23, $0xb8;
	[tilespmem:$0x15510] =	vst v63  }
0x114: {  	_ =	swait.ge [sflag:s21], $0x50  }
0x115: {  	[sflag:s21] =	ssyncset.done $0x0  }
0x116: {  	s14 =	stileid.u32;
	[sflag:s21] =	ssyncadd.s32 $0xFFFFFFB0  }
0x117: {  	s14 =	sshll.u32 s14, $0x6;
	[bflag:$0x0] =	sbarrier.arrive $0xFFFF  }
0x118: {  	s14 =	sor.u32 $0x1C06, s14;
	s16 =	rddreg [dreg:$0x9]  }
0x119: {  	[hbm:s16], [sflag:s14] =	dma.local [spmem:s24], $0x1388  }
0x11a: {  	_ =	swait.ge [sflag:s21], $0x1388  }
0x11b: {  	[sflag:s21] =	ssyncset.done $0x0  }
0x11c: {  	s15 =	rddreg [dreg:$0xa];
	[sflag:s21] =	ssyncadd.s32 $0xFFFFEC78  }
0x11d: {  	[hbm:s15], [sflag:s14] =	dma.local @!p0 [spmem:s25], $0x7D  }
0x11e: {  	s14 =	simm.s32 @!p0 $0x6  }
0x11f: {  	_ =	swait.ge @!p0 [sflag:s14], $0x7D  }
0x120: {  	s4 =	sadd.s32 $0x1, s4;
	s16 =	rddreg [dreg:$0xb]  }
0x121: {  	p1 =	sne.s32 s4, s16  }
.Ltmp3:
0x122: {  	_ = 	snop;
	(pc) =	sbr.rel @p1 .LBB2_1-.Ltmp3, $3  }
0x123: {  	_ =	sdelay $0x1  }
0x124: {  	[sflag:s14] =	ssyncset.done @!p0 $0x0  }
0x125: {  	[sflag:s14] =	ssyncadd.s32 @!p0 $0xFFFFFF83  }
0x126: {  	_ =	sfence.sel $0x180000  }
0x127: {  	[bflag:$0x0] =	sbarrier.arrive $0xFFFF  }
0x128: {  	_ =	strace $0x90000047  }
0x129: {  	s0 =	stileid.u32;
	[bflag:$0x2] =	sbarrier.arrive $0xFFFF  }
0x12a: {  	p0 =	sne.s32 s0, $0x0;
	s0 =	rddreg [dreg:$0x4]  }
0x12b: {  	s0 =	sadd.s32 @!p0 $0x100000, s0  }
0x12c: {  	[sflag:s0] =	ssyncadd.tile.s32 @!p0 $0x1;
	_ =	shalt  }
.Lfunc_end2:
_tile_overlayer_lowered:
.L_overlay_start_2:
0x12d: {  	(tag) =	ssettag $0x2  }
0x12e: {  	s0 =	rddreg [dreg:$0x0];
	s2 =	stileid.u32  }
0x12f: {  	s1 =	rddreg [dreg:$0x1];
	p0 =	sne.s32 s2, $0x0  }
0x130: {  	s3 =	rddreg [dreg:$0x2];
	[bflag:$0x3] =	sbarrier.arrive $0xFFFF;
	s2 =	simm.s32 @!p0 $0x1C06  }
0x131: {  	[timem:s3], [sflag:s2] =	dma.local @!p0 [hbm:s0], s1  }
0x132: {  	s0 =	simm.s32 @!p0 $0x6  }
0x133: {  	_ =	swait.ge @!p0 [sflag:s0], s1  }
0x134: {  	s1 =	ssub.s32 @!p0 $0x0, s1;
	[sflag:s0] =	ssyncset.done @!p0 $0x0  }
0x135: {  	[sflag:s0] =	ssyncadd.s32 @!p0 s1  }
0x136: {  	[bflag:$0x3] =	sbarrier.arrive $0xFFFF  }
0x137: {  	_ =	shalt  }

</sc_bundles>
